<compile_context>
chip_gen: v7x
topology: tpu7x:2x2x1
jax: 0.10.2.dev20260603
libtpu: 0.0.44.dev20260713+nightly
codegen_flags: <defaults>
</compile_context>

<pallas_src>
import jax
import jax.numpy as jnp
from jax import lax
from jax.experimental import pallas as pl
from jax.experimental.pallas import tpu as pltpu
from jax.experimental.pallas import tpu_sc as plsc

B, H, W, C = 4, 192, 192, 96
HW = H * W
P = (2 * H) * (2 * W)
CG = 4
NCG = C // CG
NTILES = 16
ROWS_PER_TILE = HW // NTILES
ELEMS_PER_TILE = ROWS_PER_TILE * CG
ACC_WORDS = P * CG
ACC_PER_TILE = ACC_WORDS // NTILES
CG_PER_CORE = NCG // 2
NVEC = ELEMS_PER_TILE // 16


def _body(upd_hbm, msk_hbm, zero_hbm, out_hbm, mbuf, ubuf, vbuf, ibuf, zbuf,
          acc):
    core = lax.axis_index("c")
    tile = lax.axis_index("s")

    lane = lax.iota(jnp.int32, 16)
    x_pat = lane // CG
    c_pat = lane - x_pat * CG
    inv_c = jnp.float32(1.0 / C)

    pltpu.sync_copy(zero_hbm, zbuf)

    def zero_acc():
        for j in range(ACC_PER_TILE // ELEMS_PER_TILE):
            pltpu.sync_copy(
                zbuf,
                acc.at[pl.ds(tile * ACC_PER_TILE + j * ELEMS_PER_TILE,
                             ELEMS_PER_TILE)])

    zero_acc()
    plsc.subcore_barrier()

    def item_step(it, _):
        b = it // CG_PER_CORE
        cg = core * CG_PER_CORE + (it - b * CG_PER_CORE)
        row0 = tile * ROWS_PER_TILE

        pltpu.sync_copy(msk_hbm.at[b, pl.ds(row0, ROWS_PER_TILE), cg, :],
                        mbuf)
        pltpu.sync_copy(upd_hbm.at[b, pl.ds(row0, ROWS_PER_TILE), cg, :],
                        ubuf)

        def compute(i, _):
            rows = x_pat + (16 // CG) * i
            m = plsc.load_gather(mbuf, [rows, c_pat])
            u = plsc.load_gather(ubuf, [rows, c_pat])
            q = (m.astype(jnp.float32) * inv_c).astype(jnp.int32)
            r = m - q * C
            q = jnp.where(r >= C, q + 1, q)
            q = jnp.where(r < 0, q - 1, q)
            ibuf[pl.ds(i * 16, 16)] = q * CG + c_pat
            vbuf[pl.ds(i * 16, 16)] = u
            return _
        lax.fori_loop(0, NVEC, compute, None, unroll=8)

        pltpu.sync_copy(vbuf, acc.at[ibuf], add=True)
        plsc.subcore_barrier()

        gitem = b * NCG + cg
        pltpu.sync_copy(
            acc.at[pl.ds(tile * ACC_PER_TILE, ACC_PER_TILE)],
            out_hbm.at[gitem, pl.ds(tile * ACC_PER_TILE, ACC_PER_TILE)])
        zero_acc()
        plsc.subcore_barrier()
        return _

    lax.fori_loop(0, B * CG_PER_CORE, item_step, None)


@jax.jit
def kernel(updates, mask):
    upd = updates.reshape(B, HW, NCG, CG)
    msk = mask.astype(jnp.int32).reshape(B, HW, NCG, CG)
    zero = jnp.zeros((ELEMS_PER_TILE,), jnp.float32)
    mesh = plsc.VectorSubcoreMesh(core_axis_name="c", subcore_axis_name="s")
    planar = pl.kernel(
        _body,
        out_type=jax.ShapeDtypeStruct((B * NCG, ACC_WORDS), jnp.float32),
        mesh=mesh,
        compiler_params=pltpu.CompilerParams(use_tc_tiling_on_sc=False,
                                             needs_layout_passes=False),
        scratch_types=[
            pltpu.VMEM((ROWS_PER_TILE, CG), jnp.int32),
            pltpu.VMEM((ROWS_PER_TILE, CG), jnp.float32),
            pltpu.VMEM((ELEMS_PER_TILE,), jnp.float32),
            pltpu.VMEM((ELEMS_PER_TILE,), jnp.int32),
            pltpu.VMEM((ELEMS_PER_TILE,), jnp.float32),
            pltpu.VMEM_SHARED((ACC_WORDS,), jnp.float32),
        ],
    )(upd, msk, zero)
    out4 = planar.reshape(B, NCG, P, CG)
    out = jnp.concatenate([out4[:, g] for g in range(NCG)], axis=-1)
    return out.reshape(B, 2 * H, 2 * W, C)

# --- scband reference (transcript-rebuilt; emitter-appended) ---
"""Pipeline reference for scband-max-unpooling2-d-56195352101173 (READ-ONLY COPY).

The authoritative reference and input builder live on the scoring server;
editing this copy changes nothing except your own understanding.
"""

import jax, jax.numpy as jnp
import numpy as np

SIZE = (2, 2)

def setup_inputs(seed: int = 0) -> dict:
    key = jax.random.key(seed)
    k1, k2 = jax.random.split(key)
    B, H, W, C = 4, 192, 192, 96
    out_h, out_w = H * SIZE[0], W * SIZE[1]
    updates = jax.random.normal(k1, (B, H, W, C), dtype=jnp.float32)
    # mask mimics tf.nn.max_pool_with_argmax indices (include_batch_in_index=False):
    # flat index (y*out_w + x)*C + f within a single batch image
    mask = jax.random.randint(k2, (B, H, W, C), 0, out_h * out_w * C, dtype=jnp.int64)
    return {"updates": updates, "mask": mask}

def reference(updates, mask):
    size = SIZE
    mask = mask.astype(jnp.int32)
    B, H, W, C = updates.shape
    output_shape = (B, H * size[0], W * size[1], C)
    one_like_mask = jnp.ones_like(mask, dtype=jnp.int32)
    batch_range = jnp.arange(output_shape[0], dtype=jnp.int32).reshape(B, 1, 1, 1)
    b = one_like_mask * batch_range
    y = mask // (output_shape[2] * output_shape[3])
    x = (mask // output_shape[3]) % output_shape[2]
    feature_range = jnp.arange(output_shape[3], dtype=jnp.int32)
    f = one_like_mask * feature_range
    updates_size = updates.size
    b_f = b.reshape(updates_size)
    y_f = y.reshape(updates_size)
    x_f = x.reshape(updates_size)
    f_f = f.reshape(updates_size)
    values = updates.reshape(updates_size)
    # tf.scatter_nd sums duplicate indices -> .at[...].add
    ret = jnp.zeros(output_shape, dtype=updates.dtype).at[b_f, y_f, x_f, f_f].add(values)
    return ret

if __name__ == "__main__":
    import jax
    _d = setup_inputs()
    print(jax.jit(kernel)(*tuple(_d.values())))

</pallas_src>

<mosaic_0001>
#map = affine_map<(d0, d1) -> (0, 0, 0, 0)>
#map1 = affine_map<(d0, d1) -> (0)>
#map2 = affine_map<(d0, d1) -> (0, 0)>
module attributes {stable_mosaic.version = 14 : i64} {
  func.func @_body(%arg0: i32, %arg1: i32, %arg2: memref<4x36864x24x4xf32, #tpu.memory_space<hbm>>, %arg3: memref<4x36864x24x4xi32, #tpu.memory_space<hbm>>, %arg4: memref<9216xf32, #tpu.memory_space<hbm>>, %arg5: memref<96x589824xf32, #tpu.memory_space<hbm>>, %arg6: memref<2304x4xi32, #tpu.memory_space<vmem>>, %arg7: memref<2304x4xf32, #tpu.memory_space<vmem>>, %arg8: memref<9216xf32, #tpu.memory_space<vmem>>, %arg9: memref<9216xi32, #tpu.memory_space<vmem>>, %arg10: memref<9216xf32, #tpu.memory_space<vmem>>, %arg11: memref<589824xf32, #tpu.memory_space<vmem_shared>>) attributes {dimension_semantics = [#tpu.dimension_semantics<core_parallel>, #tpu.dimension_semantics<subcore_parallel>], iteration_bounds = array<i64: 2, 16>, scalar_prefetch = 0 : i64, scratch_operands = 6 : i64, tpu.core_type = #tpu.core_type<sc_vector_subcore>, window_params = [{transform_indices = #map}, {transform_indices = #map}, {transform_indices = #map1}, {transform_indices = #map2}]} {
    %iota3A = tpu.iota {dimensions = array<i32: 0>} : vector<16xi32>
    %jit3A = arith.constant 4 : i32
    %div3A = vector.broadcast %jit3A : i32 to vector<16xi32>
    %div3A_0 = arith.divsi %iota3A, %div3A : vector<16xi32>
    %sign3A = arith.constant 0 : i32
    %sign3A_1 = vector.broadcast %sign3A : i32 to vector<16xi32>
    %sign3A_2 = arith.cmpi sgt, %iota3A, %sign3A_1 : vector<16xi32>
    %sign3A_3 = arith.extui %sign3A_2 : vector<16xi1> to vector<16xi32>
    %sign3A_4 = arith.constant 0 : i32
    %sign3A_5 = vector.broadcast %sign3A_4 : i32 to vector<16xi32>
    %sign3A_6 = arith.cmpi slt, %iota3A, %sign3A_5 : vector<16xi32>
    %sign3A_7 = arith.extui %sign3A_6 : vector<16xi1> to vector<16xi32>
    %sign3A_8 = arith.subi %sign3A_3, %sign3A_7 : vector<16xi32>
    %sign3A_9 = arith.constant 0 : i32
    %sign3A_10 = arith.cmpi sgt, %jit3A, %sign3A_9 : i32
    %sign3A_11 = arith.extui %sign3A_10 : i1 to i32
    %sign3A_12 = arith.constant 0 : i32
    %sign3A_13 = arith.cmpi slt, %jit3A, %sign3A_12 : i32
    %sign3A_14 = arith.extui %sign3A_13 : i1 to i32
    %sign3A_15 = arith.subi %sign3A_11, %sign3A_14 : i32
    %ne3A = vector.broadcast %sign3A_15 : i32 to vector<16xi32>
    %ne3A_16 = arith.cmpi ne, %sign3A_8, %ne3A : vector<16xi32>
    %rem3A = vector.broadcast %jit3A : i32 to vector<16xi32>
    %rem3A_17 = arith.remsi %iota3A, %rem3A : vector<16xi32>
    %ne3A_18 = arith.constant 0 : i32
    %ne3A_19 = vector.broadcast %ne3A_18 : i32 to vector<16xi32>
    %ne3A_20 = arith.cmpi ne, %rem3A_17, %ne3A_19 : vector<16xi32>
    %and3A = arith.andi %ne3A_16, %ne3A_20 : vector<16xi1>
    %sub3A = arith.constant 1 : i32
    %sub3A_21 = vector.broadcast %sub3A : i32 to vector<16xi32>
    %sub3A_22 = arith.subi %div3A_0, %sub3A_21 : vector<16xi32>
    %select_n3A = arith.select %and3A, %sub3A_22, %div3A_0 : vector<16xi1>, vector<16xi32>
    %mul3A = arith.constant 4 : i32
    %mul3A_23 = vector.broadcast %mul3A : i32 to vector<16xi32>
    %mul3A_24 = arith.muli %select_n3A, %mul3A_23 : vector<16xi32>
    %sub3A_25 = arith.subi %iota3A, %mul3A_24 : vector<16xi32>
    "tpu.region"() ({
      %run_scoped3A = tpu.sem_alloc : memref<!tpu.dma_semaphore, #tpu.memory_space<semaphore_mem>>
      tpu.enqueue_dma source(%arg4 : memref<9216xf32, #tpu.memory_space<hbm>>) target(%arg10 : memref<9216xf32, #tpu.memory_space<vmem>>) target_semaphore(%run_scoped3A : memref<!tpu.dma_semaphore, #tpu.memory_space<semaphore_mem>>)
      tpu.wait_dma2 semaphore(%run_scoped3A : memref<!tpu.dma_semaphore, #tpu.memory_space<semaphore_mem>>) src(%arg4 : memref<9216xf32, #tpu.memory_space<hbm>>) dst(%arg10 : memref<9216xf32, #tpu.memory_space<vmem>>)
      tpu.yield
    }) : () -> ()
    %mul3A_26 = arith.constant 36864 : i32
    %mul3A_27 = arith.muli %arg1, %mul3A_26 : i32
    %add3A = arith.constant 0 : i32
    %add3A_28 = arith.addi %mul3A_27, %add3A : i32
    "tpu.region"() ({
      %run_scoped3A = tpu.sem_alloc : memref<!tpu.dma_semaphore, #tpu.memory_space<semaphore_mem>>
      %dma_start3A = tpu.memref_slice %arg11[%add3A_28] : memref<589824xf32, #tpu.memory_space<vmem_shared>> -> memref<9216xf32, #tpu.memory_space<vmem_shared>>
      %dma_start3A_46 = tpu.memref_slice %arg11[%add3A_28] : memref<589824xf32, #tpu.memory_space<vmem_shared>> -> memref<9216xf32, #tpu.memory_space<vmem_shared>>
      tpu.enqueue_dma source(%arg10 : memref<9216xf32, #tpu.memory_space<vmem>>) target(%dma_start3A_46 : memref<9216xf32, #tpu.memory_space<vmem_shared>>) target_semaphore(%run_scoped3A : memref<!tpu.dma_semaphore, #tpu.memory_space<semaphore_mem>>)
      %dma_wait3A = tpu.memref_slice %arg11[%add3A_28] : memref<589824xf32, #tpu.memory_space<vmem_shared>> -> memref<9216xf32, #tpu.memory_space<vmem_shared>>
      %dma_wait3A_47 = tpu.memref_slice %arg11[%add3A_28] : memref<589824xf32, #tpu.memory_space<vmem_shared>> -> memref<9216xf32, #tpu.memory_space<vmem_shared>>
      tpu.wait_dma2 semaphore(%run_scoped3A : memref<!tpu.dma_semaphore, #tpu.memory_space<semaphore_mem>>) src(%arg10 : memref<9216xf32, #tpu.memory_space<vmem>>) dst(%dma_wait3A_47 : memref<9216xf32, #tpu.memory_space<vmem_shared>>)
      tpu.yield
    }) : () -> ()
    %mul3A_29 = arith.constant 36864 : i32
    %mul3A_30 = arith.muli %arg1, %mul3A_29 : i32
    %add3A_31 = arith.constant 9216 : i32
    %add3A_32 = arith.addi %mul3A_30, %add3A_31 : i32
    "tpu.region"() ({
      %run_scoped3A = tpu.sem_alloc : memref<!tpu.dma_semaphore, #tpu.memory_space<semaphore_mem>>
      %dma_start3A = tpu.memref_slice %arg11[%add3A_32] : memref<589824xf32, #tpu.memory_space<vmem_shared>> -> memref<9216xf32, #tpu.memory_space<vmem_shared>>
      %dma_start3A_46 = tpu.memref_slice %arg11[%add3A_32] : memref<589824xf32, #tpu.memory_space<vmem_shared>> -> memref<9216xf32, #tpu.memory_space<vmem_shared>>
      tpu.enqueue_dma source(%arg10 : memref<9216xf32, #tpu.memory_space<vmem>>) target(%dma_start3A_46 : memref<9216xf32, #tpu.memory_space<vmem_shared>>) target_semaphore(%run_scoped3A : memref<!tpu.dma_semaphore, #tpu.memory_space<semaphore_mem>>)
      %dma_wait3A = tpu.memref_slice %arg11[%add3A_32] : memref<589824xf32, #tpu.memory_space<vmem_shared>> -> memref<9216xf32, #tpu.memory_space<vmem_shared>>
      %dma_wait3A_47 = tpu.memref_slice %arg11[%add3A_32] : memref<589824xf32, #tpu.memory_space<vmem_shared>> -> memref<9216xf32, #tpu.memory_space<vmem_shared>>
      tpu.wait_dma2 semaphore(%run_scoped3A : memref<!tpu.dma_semaphore, #tpu.memory_space<semaphore_mem>>) src(%arg10 : memref<9216xf32, #tpu.memory_space<vmem>>) dst(%dma_wait3A_47 : memref<9216xf32, #tpu.memory_space<vmem_shared>>)
      tpu.yield
    }) : () -> ()
    %mul3A_33 = arith.constant 36864 : i32
    %mul3A_34 = arith.muli %arg1, %mul3A_33 : i32
    %add3A_35 = arith.constant 18432 : i32
    %add3A_36 = arith.addi %mul3A_34, %add3A_35 : i32
    "tpu.region"() ({
      %run_scoped3A = tpu.sem_alloc : memref<!tpu.dma_semaphore, #tpu.memory_space<semaphore_mem>>
      %dma_start3A = tpu.memref_slice %arg11[%add3A_36] : memref<589824xf32, #tpu.memory_space<vmem_shared>> -> memref<9216xf32, #tpu.memory_space<vmem_shared>>
      %dma_start3A_46 = tpu.memref_slice %arg11[%add3A_36] : memref<589824xf32, #tpu.memory_space<vmem_shared>> -> memref<9216xf32, #tpu.memory_space<vmem_shared>>
      tpu.enqueue_dma source(%arg10 : memref<9216xf32, #tpu.memory_space<vmem>>) target(%dma_start3A_46 : memref<9216xf32, #tpu.memory_space<vmem_shared>>) target_semaphore(%run_scoped3A : memref<!tpu.dma_semaphore, #tpu.memory_space<semaphore_mem>>)
      %dma_wait3A = tpu.memref_slice %arg11[%add3A_36] : memref<589824xf32, #tpu.memory_space<vmem_shared>> -> memref<9216xf32, #tpu.memory_space<vmem_shared>>
      %dma_wait3A_47 = tpu.memref_slice %arg11[%add3A_36] : memref<589824xf32, #tpu.memory_space<vmem_shared>> -> memref<9216xf32, #tpu.memory_space<vmem_shared>>
      tpu.wait_dma2 semaphore(%run_scoped3A : memref<!tpu.dma_semaphore, #tpu.memory_space<semaphore_mem>>) src(%arg10 : memref<9216xf32, #tpu.memory_space<vmem>>) dst(%dma_wait3A_47 : memref<9216xf32, #tpu.memory_space<vmem_shared>>)
      tpu.yield
    }) : () -> ()
    %mul3A_37 = arith.constant 36864 : i32
    %mul3A_38 = arith.muli %arg1, %mul3A_37 : i32
    %add3A_39 = arith.constant 27648 : i32
    %add3A_40 = arith.addi %mul3A_38, %add3A_39 : i32
    "tpu.region"() ({
      %run_scoped3A = tpu.sem_alloc : memref<!tpu.dma_semaphore, #tpu.memory_space<semaphore_mem>>
      %dma_start3A = tpu.memref_slice %arg11[%add3A_40] : memref<589824xf32, #tpu.memory_space<vmem_shared>> -> memref<9216xf32, #tpu.memory_space<vmem_shared>>
      %dma_start3A_46 = tpu.memref_slice %arg11[%add3A_40] : memref<589824xf32, #tpu.memory_space<vmem_shared>> -> memref<9216xf32, #tpu.memory_space<vmem_shared>>
      tpu.enqueue_dma source(%arg10 : memref<9216xf32, #tpu.memory_space<vmem>>) target(%dma_start3A_46 : memref<9216xf32, #tpu.memory_space<vmem_shared>>) target_semaphore(%run_scoped3A : memref<!tpu.dma_semaphore, #tpu.memory_space<semaphore_mem>>)
      %dma_wait3A = tpu.memref_slice %arg11[%add3A_40] : memref<589824xf32, #tpu.memory_space<vmem_shared>> -> memref<9216xf32, #tpu.memory_space<vmem_shared>>
      %dma_wait3A_47 = tpu.memref_slice %arg11[%add3A_40] : memref<589824xf32, #tpu.memory_space<vmem_shared>> -> memref<9216xf32, #tpu.memory_space<vmem_shared>>
      tpu.wait_dma2 semaphore(%run_scoped3A : memref<!tpu.dma_semaphore, #tpu.memory_space<semaphore_mem>>) src(%arg10 : memref<9216xf32, #tpu.memory_space<vmem>>) dst(%dma_wait3A_47 : memref<9216xf32, #tpu.memory_space<vmem_shared>>)
      tpu.yield
    }) : () -> ()
    %barrier3A = arith.constant 0 : index
    tpu.barrier barrier_id(%barrier3A)
    %scan3A = arith.constant 0.010416667 : f32
    %scan3A_41 = arith.constant 0 : i32
    %scan3A_42 = arith.constant 48 : i32
    %scan3A_43 = arith.addi %scan3A_41, %scan3A_42 : i32
    %scan3A_44 = arith.constant 1 : i32
    scf.for %scan3A_46 = %scan3A_41 to %scan3A_43 step %scan3A_44  : i32 {
      %jit3A_47 = arith.constant 12 : i32
      %div3A_48 = arith.divsi %scan3A_46, %jit3A_47 : i32
      %sign3A_49 = arith.constant 0 : i32
      %sign3A_50 = arith.cmpi sgt, %scan3A_46, %sign3A_49 : i32
      %sign3A_51 = arith.extui %sign3A_50 : i1 to i32
      %sign3A_52 = arith.constant 0 : i32
      %sign3A_53 = arith.cmpi slt, %scan3A_46, %sign3A_52 : i32
      %sign3A_54 = arith.extui %sign3A_53 : i1 to i32
      %sign3A_55 = arith.subi %sign3A_51, %sign3A_54 : i32
      %sign3A_56 = arith.constant 0 : i32
      %sign3A_57 = arith.cmpi sgt, %jit3A_47, %sign3A_56 : i32
      %sign3A_58 = arith.extui %sign3A_57 : i1 to i32
      %sign3A_59 = arith.constant 0 : i32
      %sign3A_60 = arith.cmpi slt, %jit3A_47, %sign3A_59 : i32
      %sign3A_61 = arith.extui %sign3A_60 : i1 to i32
      %sign3A_62 = arith.subi %sign3A_58, %sign3A_61 : i32
      %ne3A_63 = arith.cmpi ne, %sign3A_55, %sign3A_62 : i32
      %rem3A_64 = arith.remsi %scan3A_46, %jit3A_47 : i32
      %ne3A_65 = arith.constant 0 : i32
      %ne3A_66 = arith.cmpi ne, %rem3A_64, %ne3A_65 : i32
      %and3A_67 = arith.andi %ne3A_63, %ne3A_66 : i1
      %sub3A_68 = arith.constant 1 : i32
      %sub3A_69 = arith.subi %div3A_48, %sub3A_68 : i32
      %select_n3A_70 = arith.select %and3A_67, %sub3A_69, %div3A_48 : i32
      %mul3A_71 = arith.constant 12 : i32
      %mul3A_72 = arith.muli %arg0, %mul3A_71 : i32
      %mul3A_73 = arith.constant 12 : i32
      %mul3A_74 = arith.muli %select_n3A_70, %mul3A_73 : i32
      %sub3A_75 = arith.subi %scan3A_46, %mul3A_74 : i32
      %add3A_76 = arith.addi %mul3A_72, %sub3A_75 : i32
      %mul3A_77 = arith.constant 2304 : i32
      %mul3A_78 = arith.muli %arg1, %mul3A_77 : i32
      "tpu.region"() ({
        %run_scoped3A = tpu.sem_alloc : memref<!tpu.dma_semaphore, #tpu.memory_space<semaphore_mem>>
        %dma_start3A = arith.constant 0 : i32
        %dma_start3A_109 = tpu.memref_slice %arg3[%select_n3A_70, %mul3A_78, %add3A_76, %dma_start3A] : memref<4x36864x24x4xi32, #tpu.memory_space<hbm>> -> memref<1x2304x1x4xi32, #tpu.memory_space<hbm>>
        %dma_start3A_110 = tpu.memref_squeeze %dma_start3A_109 : memref<1x2304x1x4xi32, #tpu.memory_space<hbm>> -> memref<2304x4xi32, #tpu.memory_space<hbm>>
        %dma_start3A_111 = arith.constant 0 : i32
        %dma_start3A_112 = tpu.memref_slice %arg3[%select_n3A_70, %mul3A_78, %add3A_76, %dma_start3A_111] : memref<4x36864x24x4xi32, #tpu.memory_space<hbm>> -> memref<1x2304x1x4xi32, #tpu.memory_space<hbm>>
        %dma_start3A_113 = tpu.memref_squeeze %dma_start3A_112 : memref<1x2304x1x4xi32, #tpu.memory_space<hbm>> -> memref<2304x4xi32, #tpu.memory_space<hbm>>
        tpu.enqueue_dma source(%dma_start3A_113 : memref<2304x4xi32, #tpu.memory_space<hbm>>) target(%arg6 : memref<2304x4xi32, #tpu.memory_space<vmem>>) target_semaphore(%run_scoped3A : memref<!tpu.dma_semaphore, #tpu.memory_space<semaphore_mem>>)
        %dma_wait3A = arith.constant 0 : i32
        %dma_wait3A_114 = tpu.memref_slice %arg3[%select_n3A_70, %mul3A_78, %add3A_76, %dma_wait3A] : memref<4x36864x24x4xi32, #tpu.memory_space<hbm>> -> memref<1x2304x1x4xi32, #tpu.memory_space<hbm>>
        %dma_wait3A_115 = tpu.memref_squeeze %dma_wait3A_114 : memref<1x2304x1x4xi32, #tpu.memory_space<hbm>> -> memref<2304x4xi32, #tpu.memory_space<hbm>>
        %dma_wait3A_116 = arith.constant 0 : i32
        %dma_wait3A_117 = tpu.memref_slice %arg3[%select_n3A_70, %mul3A_78, %add3A_76, %dma_wait3A_116] : memref<4x36864x24x4xi32, #tpu.memory_space<hbm>> -> memref<1x2304x1x4xi32, #tpu.memory_space<hbm>>
        %dma_wait3A_118 = tpu.memref_squeeze %dma_wait3A_117 : memref<1x2304x1x4xi32, #tpu.memory_space<hbm>> -> memref<2304x4xi32, #tpu.memory_space<hbm>>
        tpu.wait_dma2 semaphore(%run_scoped3A : memref<!tpu.dma_semaphore, #tpu.memory_space<semaphore_mem>>) src(%dma_wait3A_118 : memref<2304x4xi32, #tpu.memory_space<hbm>>) dst(%arg6 : memref<2304x4xi32, #tpu.memory_space<vmem>>)
        tpu.yield
      }) : () -> ()
      "tpu.region"() ({
        %run_scoped3A = tpu.sem_alloc : memref<!tpu.dma_semaphore, #tpu.memory_space<semaphore_mem>>
        %dma_start3A = arith.constant 0 : i32
        %dma_start3A_109 = tpu.memref_slice %arg2[%select_n3A_70, %mul3A_78, %add3A_76, %dma_start3A] : memref<4x36864x24x4xf32, #tpu.memory_space<hbm>> -> memref<1x2304x1x4xf32, #tpu.memory_space<hbm>>
        %dma_start3A_110 = tpu.memref_squeeze %dma_start3A_109 : memref<1x2304x1x4xf32, #tpu.memory_space<hbm>> -> memref<2304x4xf32, #tpu.memory_space<hbm>>
        %dma_start3A_111 = arith.constant 0 : i32
        %dma_start3A_112 = tpu.memref_slice %arg2[%select_n3A_70, %mul3A_78, %add3A_76, %dma_start3A_111] : memref<4x36864x24x4xf32, #tpu.memory_space<hbm>> -> memref<1x2304x1x4xf32, #tpu.memory_space<hbm>>
        %dma_start3A_113 = tpu.memref_squeeze %dma_start3A_112 : memref<1x2304x1x4xf32, #tpu.memory_space<hbm>> -> memref<2304x4xf32, #tpu.memory_space<hbm>>
        tpu.enqueue_dma source(%dma_start3A_113 : memref<2304x4xf32, #tpu.memory_space<hbm>>) target(%arg7 : memref<2304x4xf32, #tpu.memory_space<vmem>>) target_semaphore(%run_scoped3A : memref<!tpu.dma_semaphore, #tpu.memory_space<semaphore_mem>>)
        %dma_wait3A = arith.constant 0 : i32
        %dma_wait3A_114 = tpu.memref_slice %arg2[%select_n3A_70, %mul3A_78, %add3A_76, %dma_wait3A] : memref<4x36864x24x4xf32, #tpu.memory_space<hbm>> -> memref<1x2304x1x4xf32, #tpu.memory_space<hbm>>
        %dma_wait3A_115 = tpu.memref_squeeze %dma_wait3A_114 : memref<1x2304x1x4xf32, #tpu.memory_space<hbm>> -> memref<2304x4xf32, #tpu.memory_space<hbm>>
        %dma_wait3A_116 = arith.constant 0 : i32
        %dma_wait3A_117 = tpu.memref_slice %arg2[%select_n3A_70, %mul3A_78, %add3A_76, %dma_wait3A_116] : memref<4x36864x24x4xf32, #tpu.memory_space<hbm>> -> memref<1x2304x1x4xf32, #tpu.memory_space<hbm>>
        %dma_wait3A_118 = tpu.memref_squeeze %dma_wait3A_117 : memref<1x2304x1x4xf32, #tpu.memory_space<hbm>> -> memref<2304x4xf32, #tpu.memory_space<hbm>>
        tpu.wait_dma2 semaphore(%run_scoped3A : memref<!tpu.dma_semaphore, #tpu.memory_space<semaphore_mem>>) src(%dma_wait3A_118 : memref<2304x4xf32, #tpu.memory_space<hbm>>) dst(%arg7 : memref<2304x4xf32, #tpu.memory_space<vmem>>)
        tpu.yield
      }) : () -> ()
      %scan3A_79 = arith.constant 0 : i32
      %scan3A_80 = arith.constant 576 : i32
      %scan3A_81 = arith.addi %scan3A_79, %scan3A_80 : i32
      %scan3A_82 = arith.constant 8 : i32
      scf.for %scan3A_109 = %scan3A_79 to %scan3A_81 step %scan3A_82  : i32 {
        %mul3A_110 = arith.constant 4 : i32
        %mul3A_111 = arith.muli %mul3A_110, %scan3A_109 : i32
        %add3A_112 = vector.broadcast %mul3A_111 : i32 to vector<16xi32>
        %add3A_113 = arith.addi %select_n3A, %add3A_112 : vector<16xi32>
        %gather3A = tpu.vector_load_idx %arg6[%add3A_113, %sub3A_25] : memref<2304x4xi32, #tpu.memory_space<vmem>>[vector<16xi32>, vector<16xi32>], vector<16xi32>,
        %gather3A_114 = tpu.vector_load_idx %arg7[%add3A_113, %sub3A_25] : memref<2304x4xf32, #tpu.memory_space<vmem>>[vector<16xi32>, vector<16xi32>], vector<16xf32>,
        %convert_element_type3A = arith.sitofp %gather3A : vector<16xi32> to vector<16xf32>
        %mul3A_115 = vector.broadcast %scan3A : f32 to vector<16xf32>
        %mul3A_116 = arith.mulf %convert_element_type3A, %mul3A_115 : vector<16xf32>
        %convert_element_type3A_117 = arith.fptosi %mul3A_116 : vector<16xf32> to vector<16xi32>
        %mul3A_118 = arith.constant 96 : i32
        %mul3A_119 = vector.broadcast %mul3A_118 : i32 to vector<16xi32>
        %mul3A_120 = arith.muli %convert_element_type3A_117, %mul3A_119 : vector<16xi32>
        %sub3A_121 = arith.subi %gather3A, %mul3A_120 : vector<16xi32>
        %ge3A = arith.constant 96 : i32
        %ge3A_122 = vector.broadcast %ge3A : i32 to vector<16xi32>
        %ge3A_123 = arith.cmpi sge, %sub3A_121, %ge3A_122 : vector<16xi32>
        %add3A_124 = arith.constant 1 : i32
        %add3A_125 = vector.broadcast %add3A_124 : i32 to vector<16xi32>
        %add3A_126 = arith.addi %convert_element_type3A_117, %add3A_125 : vector<16xi32>
        %select_n3A_127 = arith.select %ge3A_123, %add3A_126, %convert_element_type3A_117 : vector<16xi1>, vector<16xi32>
        %lt3A = arith.constant 0 : i32
        %lt3A_128 = vector.broadcast %lt3A : i32 to vector<16xi32>
        %lt3A_129 = arith.cmpi slt, %sub3A_121, %lt3A_128 : vector<16xi32>
        %sub3A_130 = arith.constant 1 : i32
        %sub3A_131 = vector.broadcast %sub3A_130 : i32 to vector<16xi32>
        %sub3A_132 = arith.subi %select_n3A_127, %sub3A_131 : vector<16xi32>
        %select_n3A_133 = arith.select %lt3A_129, %sub3A_132, %select_n3A_127 : vector<16xi1>, vector<16xi32>
        %mul3A_134 = arith.constant 4 : i32
        %mul3A_135 = vector.broadcast %mul3A_134 : i32 to vector<16xi32>
        %mul3A_136 = arith.muli %select_n3A_133, %mul3A_135 : vector<16xi32>
        %add3A_137 = arith.addi %mul3A_136, %sub3A_25 : vector<16xi32>
        %mul3A_138 = arith.constant 16 : i32
        %mul3A_139 = arith.muli %scan3A_109, %mul3A_138 : i32
        %swap3A = arith.index_cast %mul3A_139 : i32 to index
        %swap3A_140 = tpu.vector_load %arg9[%swap3A] {strides = array<i32>} : memref<9216xi32, #tpu.memory_space<vmem>>, vector<16xi32>,
        tpu.vector_store %arg9[%swap3A], %add3A_137 {strides = array<i32>} : memref<9216xi32, #tpu.memory_space<vmem>>, vector<16xi32>,
        %mul3A_141 = arith.constant 16 : i32
        %mul3A_142 = arith.muli %scan3A_109, %mul3A_141 : i32
        %swap3A_143 = arith.index_cast %mul3A_142 : i32 to index
        %swap3A_144 = tpu.vector_load %arg8[%swap3A_143] {strides = array<i32>} : memref<9216xf32, #tpu.memory_space<vmem>>, vector<16xf32>,
        tpu.vector_store %arg8[%swap3A_143], %gather3A_114 {strides = array<i32>} : memref<9216xf32, #tpu.memory_space<vmem>>, vector<16xf32>,
        %scan3A_145 = arith.constant 1 : i32
        %scan3A_146 = arith.addi %scan3A_109, %scan3A_145 : i32
        %mul3A_147 = arith.constant 4 : i32
        %mul3A_148 = arith.muli %mul3A_147, %scan3A_146 : i32
        %add3A_149 = vector.broadcast %mul3A_148 : i32 to vector<16xi32>
        %add3A_150 = arith.addi %select_n3A, %add3A_149 : vector<16xi32>
        %gather3A_151 = tpu.vector_load_idx %arg6[%add3A_150, %sub3A_25] : memref<2304x4xi32, #tpu.memory_space<vmem>>[vector<16xi32>, vector<16xi32>], vector<16xi32>,
        %gather3A_152 = tpu.vector_load_idx %arg7[%add3A_150, %sub3A_25] : memref<2304x4xf32, #tpu.memory_space<vmem>>[vector<16xi32>, vector<16xi32>], vector<16xf32>,
        %convert_element_type3A_153 = arith.sitofp %gather3A_151 : vector<16xi32> to vector<16xf32>
        %mul3A_154 = vector.broadcast %scan3A : f32 to vector<16xf32>
        %mul3A_155 = arith.mulf %convert_element_type3A_153, %mul3A_154 : vector<16xf32>
        %convert_element_type3A_156 = arith.fptosi %mul3A_155 : vector<16xf32> to vector<16xi32>
        %mul3A_157 = arith.constant 96 : i32
        %mul3A_158 = vector.broadcast %mul3A_157 : i32 to vector<16xi32>
        %mul3A_159 = arith.muli %convert_element_type3A_156, %mul3A_158 : vector<16xi32>
        %sub3A_160 = arith.subi %gather3A_151, %mul3A_159 : vector<16xi32>
        %ge3A_161 = arith.constant 96 : i32
        %ge3A_162 = vector.broadcast %ge3A_161 : i32 to vector<16xi32>
        %ge3A_163 = arith.cmpi sge, %sub3A_160, %ge3A_162 : vector<16xi32>
        %add3A_164 = arith.constant 1 : i32
        %add3A_165 = vector.broadcast %add3A_164 : i32 to vector<16xi32>
        %add3A_166 = arith.addi %convert_element_type3A_156, %add3A_165 : vector<16xi32>
        %select_n3A_167 = arith.select %ge3A_163, %add3A_166, %convert_element_type3A_156 : vector<16xi1>, vector<16xi32>
        %lt3A_168 = arith.constant 0 : i32
        %lt3A_169 = vector.broadcast %lt3A_168 : i32 to vector<16xi32>
        %lt3A_170 = arith.cmpi slt, %sub3A_160, %lt3A_169 : vector<16xi32>
        %sub3A_171 = arith.constant 1 : i32
        %sub3A_172 = vector.broadcast %sub3A_171 : i32 to vector<16xi32>
        %sub3A_173 = arith.subi %select_n3A_167, %sub3A_172 : vector<16xi32>
        %select_n3A_174 = arith.select %lt3A_170, %sub3A_173, %select_n3A_167 : vector<16xi1>, vector<16xi32>
        %mul3A_175 = arith.constant 4 : i32
        %mul3A_176 = vector.broadcast %mul3A_175 : i32 to vector<16xi32>
        %mul3A_177 = arith.muli %select_n3A_174, %mul3A_176 : vector<16xi32>
        %add3A_178 = arith.addi %mul3A_177, %sub3A_25 : vector<16xi32>
        %mul3A_179 = arith.constant 16 : i32
        %mul3A_180 = arith.muli %scan3A_146, %mul3A_179 : i32
        %swap3A_181 = arith.index_cast %mul3A_180 : i32 to index
        %swap3A_182 = tpu.vector_load %arg9[%swap3A_181] {strides = array<i32>} : memref<9216xi32, #tpu.memory_space<vmem>>, vector<16xi32>,
        tpu.vector_store %arg9[%swap3A_181], %add3A_178 {strides = array<i32>} : memref<9216xi32, #tpu.memory_space<vmem>>, vector<16xi32>,
        %mul3A_183 = arith.constant 16 : i32
        %mul3A_184 = arith.muli %scan3A_146, %mul3A_183 : i32
        %swap3A_185 = arith.index_cast %mul3A_184 : i32 to index
        %swap3A_186 = tpu.vector_load %arg8[%swap3A_185] {strides = array<i32>} : memref<9216xf32, #tpu.memory_space<vmem>>, vector<16xf32>,
        tpu.vector_store %arg8[%swap3A_185], %gather3A_152 {strides = array<i32>} : memref<9216xf32, #tpu.memory_space<vmem>>, vector<16xf32>,
        %scan3A_187 = arith.constant 2 : i32
        %scan3A_188 = arith.addi %scan3A_109, %scan3A_187 : i32
        %mul3A_189 = arith.constant 4 : i32
        %mul3A_190 = arith.muli %mul3A_189, %scan3A_188 : i32
        %add3A_191 = vector.broadcast %mul3A_190 : i32 to vector<16xi32>
        %add3A_192 = arith.addi %select_n3A, %add3A_191 : vector<16xi32>
        %gather3A_193 = tpu.vector_load_idx %arg6[%add3A_192, %sub3A_25] : memref<2304x4xi32, #tpu.memory_space<vmem>>[vector<16xi32>, vector<16xi32>], vector<16xi32>,
        %gather3A_194 = tpu.vector_load_idx %arg7[%add3A_192, %sub3A_25] : memref<2304x4xf32, #tpu.memory_space<vmem>>[vector<16xi32>, vector<16xi32>], vector<16xf32>,
        %convert_element_type3A_195 = arith.sitofp %gather3A_193 : vector<16xi32> to vector<16xf32>
        %mul3A_196 = vector.broadcast %scan3A : f32 to vector<16xf32>
        %mul3A_197 = arith.mulf %convert_element_type3A_195, %mul3A_196 : vector<16xf32>
        %convert_element_type3A_198 = arith.fptosi %mul3A_197 : vector<16xf32> to vector<16xi32>
        %mul3A_199 = arith.constant 96 : i32
        %mul3A_200 = vector.broadcast %mul3A_199 : i32 to vector<16xi32>
        %mul3A_201 = arith.muli %convert_element_type3A_198, %mul3A_200 : vector<16xi32>
        %sub3A_202 = arith.subi %gather3A_193, %mul3A_201 : vector<16xi32>
        %ge3A_203 = arith.constant 96 : i32
        %ge3A_204 = vector.broadcast %ge3A_203 : i32 to vector<16xi32>
        %ge3A_205 = arith.cmpi sge, %sub3A_202, %ge3A_204 : vector<16xi32>
        %add3A_206 = arith.constant 1 : i32
        %add3A_207 = vector.broadcast %add3A_206 : i32 to vector<16xi32>
        %add3A_208 = arith.addi %convert_element_type3A_198, %add3A_207 : vector<16xi32>
        %select_n3A_209 = arith.select %ge3A_205, %add3A_208, %convert_element_type3A_198 : vector<16xi1>, vector<16xi32>
        %lt3A_210 = arith.constant 0 : i32
        %lt3A_211 = vector.broadcast %lt3A_210 : i32 to vector<16xi32>
        %lt3A_212 = arith.cmpi slt, %sub3A_202, %lt3A_211 : vector<16xi32>
        %sub3A_213 = arith.constant 1 : i32
        %sub3A_214 = vector.broadcast %sub3A_213 : i32 to vector<16xi32>
        %sub3A_215 = arith.subi %select_n3A_209, %sub3A_214 : vector<16xi32>
        %select_n3A_216 = arith.select %lt3A_212, %sub3A_215, %select_n3A_209 : vector<16xi1>, vector<16xi32>
        %mul3A_217 = arith.constant 4 : i32
        %mul3A_218 = vector.broadcast %mul3A_217 : i32 to vector<16xi32>
        %mul3A_219 = arith.muli %select_n3A_216, %mul3A_218 : vector<16xi32>
        %add3A_220 = arith.addi %mul3A_219, %sub3A_25 : vector<16xi32>
        %mul3A_221 = arith.constant 16 : i32
        %mul3A_222 = arith.muli %scan3A_188, %mul3A_221 : i32
        %swap3A_223 = arith.index_cast %mul3A_222 : i32 to index
        %swap3A_224 = tpu.vector_load %arg9[%swap3A_223] {strides = array<i32>} : memref<9216xi32, #tpu.memory_space<vmem>>, vector<16xi32>,
        tpu.vector_store %arg9[%swap3A_223], %add3A_220 {strides = array<i32>} : memref<9216xi32, #tpu.memory_space<vmem>>, vector<16xi32>,
        %mul3A_225 = arith.constant 16 : i32
        %mul3A_226 = arith.muli %scan3A_188, %mul3A_225 : i32
        %swap3A_227 = arith.index_cast %mul3A_226 : i32 to index
        %swap3A_228 = tpu.vector_load %arg8[%swap3A_227] {strides = array<i32>} : memref<9216xf32, #tpu.memory_space<vmem>>, vector<16xf32>,
        tpu.vector_store %arg8[%swap3A_227], %gather3A_194 {strides = array<i32>} : memref<9216xf32, #tpu.memory_space<vmem>>, vector<16xf32>,
        %scan3A_229 = arith.constant 3 : i32
        %scan3A_230 = arith.addi %scan3A_109, %scan3A_229 : i32
        %mul3A_231 = arith.constant 4 : i32
        %mul3A_232 = arith.muli %mul3A_231, %scan3A_230 : i32
        %add3A_233 = vector.broadcast %mul3A_232 : i32 to vector<16xi32>
        %add3A_234 = arith.addi %select_n3A, %add3A_233 : vector<16xi32>
        %gather3A_235 = tpu.vector_load_idx %arg6[%add3A_234, %sub3A_25] : memref<2304x4xi32, #tpu.memory_space<vmem>>[vector<16xi32>, vector<16xi32>], vector<16xi32>,
        %gather3A_236 = tpu.vector_load_idx %arg7[%add3A_234, %sub3A_25] : memref<2304x4xf32, #tpu.memory_space<vmem>>[vector<16xi32>, vector<16xi32>], vector<16xf32>,
        %convert_element_type3A_237 = arith.sitofp %gather3A_235 : vector<16xi32> to vector<16xf32>
        %mul3A_238 = vector.broadcast %scan3A : f32 to vector<16xf32>
        %mul3A_239 = arith.mulf %convert_element_type3A_237, %mul3A_238 : vector<16xf32>
        %convert_element_type3A_240 = arith.fptosi %mul3A_239 : vector<16xf32> to vector<16xi32>
        %mul3A_241 = arith.constant 96 : i32
        %mul3A_242 = vector.broadcast %mul3A_241 : i32 to vector<16xi32>
        %mul3A_243 = arith.muli %convert_element_type3A_240, %mul3A_242 : vector<16xi32>
        %sub3A_244 = arith.subi %gather3A_235, %mul3A_243 : vector<16xi32>
        %ge3A_245 = arith.constant 96 : i32
        %ge3A_246 = vector.broadcast %ge3A_245 : i32 to vector<16xi32>
        %ge3A_247 = arith.cmpi sge, %sub3A_244, %ge3A_246 : vector<16xi32>
        %add3A_248 = arith.constant 1 : i32
        %add3A_249 = vector.broadcast %add3A_248 : i32 to vector<16xi32>
        %add3A_250 = arith.addi %convert_element_type3A_240, %add3A_249 : vector<16xi32>
        %select_n3A_251 = arith.select %ge3A_247, %add3A_250, %convert_element_type3A_240 : vector<16xi1>, vector<16xi32>
        %lt3A_252 = arith.constant 0 : i32
        %lt3A_253 = vector.broadcast %lt3A_252 : i32 to vector<16xi32>
        %lt3A_254 = arith.cmpi slt, %sub3A_244, %lt3A_253 : vector<16xi32>
        %sub3A_255 = arith.constant 1 : i32
        %sub3A_256 = vector.broadcast %sub3A_255 : i32 to vector<16xi32>
        %sub3A_257 = arith.subi %select_n3A_251, %sub3A_256 : vector<16xi32>
        %select_n3A_258 = arith.select %lt3A_254, %sub3A_257, %select_n3A_251 : vector<16xi1>, vector<16xi32>
        %mul3A_259 = arith.constant 4 : i32
        %mul3A_260 = vector.broadcast %mul3A_259 : i32 to vector<16xi32>
        %mul3A_261 = arith.muli %select_n3A_258, %mul3A_260 : vector<16xi32>
        %add3A_262 = arith.addi %mul3A_261, %sub3A_25 : vector<16xi32>
        %mul3A_263 = arith.constant 16 : i32
        %mul3A_264 = arith.muli %scan3A_230, %mul3A_263 : i32
        %swap3A_265 = arith.index_cast %mul3A_264 : i32 to index
        %swap3A_266 = tpu.vector_load %arg9[%swap3A_265] {strides = array<i32>} : memref<9216xi32, #tpu.memory_space<vmem>>, vector<16xi32>,
        tpu.vector_store %arg9[%swap3A_265], %add3A_262 {strides = array<i32>} : memref<9216xi32, #tpu.memory_space<vmem>>, vector<16xi32>,
        %mul3A_267 = arith.constant 16 : i32
        %mul3A_268 = arith.muli %scan3A_230, %mul3A_267 : i32
        %swap3A_269 = arith.index_cast %mul3A_268 : i32 to index
        %swap3A_270 = tpu.vector_load %arg8[%swap3A_269] {strides = array<i32>} : memref<9216xf32, #tpu.memory_space<vmem>>, vector<16xf32>,
        tpu.vector_store %arg8[%swap3A_269], %gather3A_236 {strides = array<i32>} : memref<9216xf32, #tpu.memory_space<vmem>>, vector<16xf32>,
        %scan3A_271 = arith.constant 4 : i32
        %scan3A_272 = arith.addi %scan3A_109, %scan3A_271 : i32
        %mul3A_273 = arith.constant 4 : i32
        %mul3A_274 = arith.muli %mul3A_273, %scan3A_272 : i32
        %add3A_275 = vector.broadcast %mul3A_274 : i32 to vector<16xi32>
        %add3A_276 = arith.addi %select_n3A, %add3A_275 : vector<16xi32>
        %gather3A_277 = tpu.vector_load_idx %arg6[%add3A_276, %sub3A_25] : memref<2304x4xi32, #tpu.memory_space<vmem>>[vector<16xi32>, vector<16xi32>], vector<16xi32>,
        %gather3A_278 = tpu.vector_load_idx %arg7[%add3A_276, %sub3A_25] : memref<2304x4xf32, #tpu.memory_space<vmem>>[vector<16xi32>, vector<16xi32>], vector<16xf32>,
        %convert_element_type3A_279 = arith.sitofp %gather3A_277 : vector<16xi32> to vector<16xf32>
        %mul3A_280 = vector.broadcast %scan3A : f32 to vector<16xf32>
        %mul3A_281 = arith.mulf %convert_element_type3A_279, %mul3A_280 : vector<16xf32>
        %convert_element_type3A_282 = arith.fptosi %mul3A_281 : vector<16xf32> to vector<16xi32>
        %mul3A_283 = arith.constant 96 : i32
        %mul3A_284 = vector.broadcast %mul3A_283 : i32 to vector<16xi32>
        %mul3A_285 = arith.muli %convert_element_type3A_282, %mul3A_284 : vector<16xi32>
        %sub3A_286 = arith.subi %gather3A_277, %mul3A_285 : vector<16xi32>
        %ge3A_287 = arith.constant 96 : i32
        %ge3A_288 = vector.broadcast %ge3A_287 : i32 to vector<16xi32>
        %ge3A_289 = arith.cmpi sge, %sub3A_286, %ge3A_288 : vector<16xi32>
        %add3A_290 = arith.constant 1 : i32
        %add3A_291 = vector.broadcast %add3A_290 : i32 to vector<16xi32>
        %add3A_292 = arith.addi %convert_element_type3A_282, %add3A_291 : vector<16xi32>
        %select_n3A_293 = arith.select %ge3A_289, %add3A_292, %convert_element_type3A_282 : vector<16xi1>, vector<16xi32>
        %lt3A_294 = arith.constant 0 : i32
        %lt3A_295 = vector.broadcast %lt3A_294 : i32 to vector<16xi32>
        %lt3A_296 = arith.cmpi slt, %sub3A_286, %lt3A_295 : vector<16xi32>
        %sub3A_297 = arith.constant 1 : i32
        %sub3A_298 = vector.broadcast %sub3A_297 : i32 to vector<16xi32>
        %sub3A_299 = arith.subi %select_n3A_293, %sub3A_298 : vector<16xi32>
        %select_n3A_300 = arith.select %lt3A_296, %sub3A_299, %select_n3A_293 : vector<16xi1>, vector<16xi32>
        %mul3A_301 = arith.constant 4 : i32
        %mul3A_302 = vector.broadcast %mul3A_301 : i32 to vector<16xi32>
        %mul3A_303 = arith.muli %select_n3A_300, %mul3A_302 : vector<16xi32>
        %add3A_304 = arith.addi %mul3A_303, %sub3A_25 : vector<16xi32>
        %mul3A_305 = arith.constant 16 : i32
        %mul3A_306 = arith.muli %scan3A_272, %mul3A_305 : i32
        %swap3A_307 = arith.index_cast %mul3A_306 : i32 to index
        %swap3A_308 = tpu.vector_load %arg9[%swap3A_307] {strides = array<i32>} : memref<9216xi32, #tpu.memory_space<vmem>>, vector<16xi32>,
        tpu.vector_store %arg9[%swap3A_307], %add3A_304 {strides = array<i32>} : memref<9216xi32, #tpu.memory_space<vmem>>, vector<16xi32>,
        %mul3A_309 = arith.constant 16 : i32
        %mul3A_310 = arith.muli %scan3A_272, %mul3A_309 : i32
        %swap3A_311 = arith.index_cast %mul3A_310 : i32 to index
        %swap3A_312 = tpu.vector_load %arg8[%swap3A_311] {strides = array<i32>} : memref<9216xf32, #tpu.memory_space<vmem>>, vector<16xf32>,
        tpu.vector_store %arg8[%swap3A_311], %gather3A_278 {strides = array<i32>} : memref<9216xf32, #tpu.memory_space<vmem>>, vector<16xf32>,
        %scan3A_313 = arith.constant 5 : i32
        %scan3A_314 = arith.addi %scan3A_109, %scan3A_313 : i32
        %mul3A_315 = arith.constant 4 : i32
        %mul3A_316 = arith.muli %mul3A_315, %scan3A_314 : i32
        %add3A_317 = vector.broadcast %mul3A_316 : i32 to vector<16xi32>
        %add3A_318 = arith.addi %select_n3A, %add3A_317 : vector<16xi32>
        %gather3A_319 = tpu.vector_load_idx %arg6[%add3A_318, %sub3A_25] : memref<2304x4xi32, #tpu.memory_space<vmem>>[vector<16xi32>, vector<16xi32>], vector<16xi32>,
        %gather3A_320 = tpu.vector_load_idx %arg7[%add3A_318, %sub3A_25] : memref<2304x4xf32, #tpu.memory_space<vmem>>[vector<16xi32>, vector<16xi32>], vector<16xf32>,
        %convert_element_type3A_321 = arith.sitofp %gather3A_319 : vector<16xi32> to vector<16xf32>
        %mul3A_322 = vector.broadcast %scan3A : f32 to vector<16xf32>
        %mul3A_323 = arith.mulf %convert_element_type3A_321, %mul3A_322 : vector<16xf32>
        %convert_element_type3A_324 = arith.fptosi %mul3A_323 : vector<16xf32> to vector<16xi32>
        %mul3A_325 = arith.constant 96 : i32
        %mul3A_326 = vector.broadcast %mul3A_325 : i32 to vector<16xi32>
        %mul3A_327 = arith.muli %convert_element_type3A_324, %mul3A_326 : vector<16xi32>
        %sub3A_328 = arith.subi %gather3A_319, %mul3A_327 : vector<16xi32>
        %ge3A_329 = arith.constant 96 : i32
        %ge3A_330 = vector.broadcast %ge3A_329 : i32 to vector<16xi32>
        %ge3A_331 = arith.cmpi sge, %sub3A_328, %ge3A_330 : vector<16xi32>
        %add3A_332 = arith.constant 1 : i32
        %add3A_333 = vector.broadcast %add3A_332 : i32 to vector<16xi32>
        %add3A_334 = arith.addi %convert_element_type3A_324, %add3A_333 : vector<16xi32>
        %select_n3A_335 = arith.select %ge3A_331, %add3A_334, %convert_element_type3A_324 : vector<16xi1>, vector<16xi32>
        %lt3A_336 = arith.constant 0 : i32
        %lt3A_337 = vector.broadcast %lt3A_336 : i32 to vector<16xi32>
        %lt3A_338 = arith.cmpi slt, %sub3A_328, %lt3A_337 : vector<16xi32>
        %sub3A_339 = arith.constant 1 : i32
        %sub3A_340 = vector.broadcast %sub3A_339 : i32 to vector<16xi32>
        %sub3A_341 = arith.subi %select_n3A_335, %sub3A_340 : vector<16xi32>
        %select_n3A_342 = arith.select %lt3A_338, %sub3A_341, %select_n3A_335 : vector<16xi1>, vector<16xi32>
        %mul3A_343 = arith.constant 4 : i32
        %mul3A_344 = vector.broadcast %mul3A_343 : i32 to vector<16xi32>
        %mul3A_345 = arith.muli %select_n3A_342, %mul3A_344 : vector<16xi32>
        %add3A_346 = arith.addi %mul3A_345, %sub3A_25 : vector<16xi32>
        %mul3A_347 = arith.constant 16 : i32
        %mul3A_348 = arith.muli %scan3A_314, %mul3A_347 : i32
        %swap3A_349 = arith.index_cast %mul3A_348 : i32 to index
        %swap3A_350 = tpu.vector_load %arg9[%swap3A_349] {strides = array<i32>} : memref<9216xi32, #tpu.memory_space<vmem>>, vector<16xi32>,
        tpu.vector_store %arg9[%swap3A_349], %add3A_346 {strides = array<i32>} : memref<9216xi32, #tpu.memory_space<vmem>>, vector<16xi32>,
        %mul3A_351 = arith.constant 16 : i32
        %mul3A_352 = arith.muli %scan3A_314, %mul3A_351 : i32
        %swap3A_353 = arith.index_cast %mul3A_352 : i32 to index
        %swap3A_354 = tpu.vector_load %arg8[%swap3A_353] {strides = array<i32>} : memref<9216xf32, #tpu.memory_space<vmem>>, vector<16xf32>,
        tpu.vector_store %arg8[%swap3A_353], %gather3A_320 {strides = array<i32>} : memref<9216xf32, #tpu.memory_space<vmem>>, vector<16xf32>,
        %scan3A_355 = arith.constant 6 : i32
        %scan3A_356 = arith.addi %scan3A_109, %scan3A_355 : i32
        %mul3A_357 = arith.constant 4 : i32
        %mul3A_358 = arith.muli %mul3A_357, %scan3A_356 : i32
        %add3A_359 = vector.broadcast %mul3A_358 : i32 to vector<16xi32>
        %add3A_360 = arith.addi %select_n3A, %add3A_359 : vector<16xi32>
        %gather3A_361 = tpu.vector_load_idx %arg6[%add3A_360, %sub3A_25] : memref<2304x4xi32, #tpu.memory_space<vmem>>[vector<16xi32>, vector<16xi32>], vector<16xi32>,
        %gather3A_362 = tpu.vector_load_idx %arg7[%add3A_360, %sub3A_25] : memref<2304x4xf32, #tpu.memory_space<vmem>>[vector<16xi32>, vector<16xi32>], vector<16xf32>,
        %convert_element_type3A_363 = arith.sitofp %gather3A_361 : vector<16xi32> to vector<16xf32>
        %mul3A_364 = vector.broadcast %scan3A : f32 to vector<16xf32>
        %mul3A_365 = arith.mulf %convert_element_type3A_363, %mul3A_364 : vector<16xf32>
        %convert_element_type3A_366 = arith.fptosi %mul3A_365 : vector<16xf32> to vector<16xi32>
        %mul3A_367 = arith.constant 96 : i32
        %mul3A_368 = vector.broadcast %mul3A_367 : i32 to vector<16xi32>
        %mul3A_369 = arith.muli %convert_element_type3A_366, %mul3A_368 : vector<16xi32>
        %sub3A_370 = arith.subi %gather3A_361, %mul3A_369 : vector<16xi32>
        %ge3A_371 = arith.constant 96 : i32
        %ge3A_372 = vector.broadcast %ge3A_371 : i32 to vector<16xi32>
        %ge3A_373 = arith.cmpi sge, %sub3A_370, %ge3A_372 : vector<16xi32>
        %add3A_374 = arith.constant 1 : i32
        %add3A_375 = vector.broadcast %add3A_374 : i32 to vector<16xi32>
        %add3A_376 = arith.addi %convert_element_type3A_366, %add3A_375 : vector<16xi32>
        %select_n3A_377 = arith.select %ge3A_373, %add3A_376, %convert_element_type3A_366 : vector<16xi1>, vector<16xi32>
        %lt3A_378 = arith.constant 0 : i32
        %lt3A_379 = vector.broadcast %lt3A_378 : i32 to vector<16xi32>
        %lt3A_380 = arith.cmpi slt, %sub3A_370, %lt3A_379 : vector<16xi32>
        %sub3A_381 = arith.constant 1 : i32
        %sub3A_382 = vector.broadcast %sub3A_381 : i32 to vector<16xi32>
        %sub3A_383 = arith.subi %select_n3A_377, %sub3A_382 : vector<16xi32>
        %select_n3A_384 = arith.select %lt3A_380, %sub3A_383, %select_n3A_377 : vector<16xi1>, vector<16xi32>
        %mul3A_385 = arith.constant 4 : i32
        %mul3A_386 = vector.broadcast %mul3A_385 : i32 to vector<16xi32>
        %mul3A_387 = arith.muli %select_n3A_384, %mul3A_386 : vector<16xi32>
        %add3A_388 = arith.addi %mul3A_387, %sub3A_25 : vector<16xi32>
        %mul3A_389 = arith.constant 16 : i32
        %mul3A_390 = arith.muli %scan3A_356, %mul3A_389 : i32
        %swap3A_391 = arith.index_cast %mul3A_390 : i32 to index
        %swap3A_392 = tpu.vector_load %arg9[%swap3A_391] {strides = array<i32>} : memref<9216xi32, #tpu.memory_space<vmem>>, vector<16xi32>,
        tpu.vector_store %arg9[%swap3A_391], %add3A_388 {strides = array<i32>} : memref<9216xi32, #tpu.memory_space<vmem>>, vector<16xi32>,
        %mul3A_393 = arith.constant 16 : i32
        %mul3A_394 = arith.muli %scan3A_356, %mul3A_393 : i32
        %swap3A_395 = arith.index_cast %mul3A_394 : i32 to index
        %swap3A_396 = tpu.vector_load %arg8[%swap3A_395] {strides = array<i32>} : memref<9216xf32, #tpu.memory_space<vmem>>, vector<16xf32>,
        tpu.vector_store %arg8[%swap3A_395], %gather3A_362 {strides = array<i32>} : memref<9216xf32, #tpu.memory_space<vmem>>, vector<16xf32>,
        %scan3A_397 = arith.constant 7 : i32
        %scan3A_398 = arith.addi %scan3A_109, %scan3A_397 : i32
        %mul3A_399 = arith.constant 4 : i32
        %mul3A_400 = arith.muli %mul3A_399, %scan3A_398 : i32
        %add3A_401 = vector.broadcast %mul3A_400 : i32 to vector<16xi32>
        %add3A_402 = arith.addi %select_n3A, %add3A_401 : vector<16xi32>
        %gather3A_403 = tpu.vector_load_idx %arg6[%add3A_402, %sub3A_25] : memref<2304x4xi32, #tpu.memory_space<vmem>>[vector<16xi32>, vector<16xi32>], vector<16xi32>,
        %gather3A_404 = tpu.vector_load_idx %arg7[%add3A_402, %sub3A_25] : memref<2304x4xf32, #tpu.memory_space<vmem>>[vector<16xi32>, vector<16xi32>], vector<16xf32>,
        %convert_element_type3A_405 = arith.sitofp %gather3A_403 : vector<16xi32> to vector<16xf32>
        %mul3A_406 = vector.broadcast %scan3A : f32 to vector<16xf32>
        %mul3A_407 = arith.mulf %convert_element_type3A_405, %mul3A_406 : vector<16xf32>
        %convert_element_type3A_408 = arith.fptosi %mul3A_407 : vector<16xf32> to vector<16xi32>
        %mul3A_409 = arith.constant 96 : i32
        %mul3A_410 = vector.broadcast %mul3A_409 : i32 to vector<16xi32>
        %mul3A_411 = arith.muli %convert_element_type3A_408, %mul3A_410 : vector<16xi32>
        %sub3A_412 = arith.subi %gather3A_403, %mul3A_411 : vector<16xi32>
        %ge3A_413 = arith.constant 96 : i32
        %ge3A_414 = vector.broadcast %ge3A_413 : i32 to vector<16xi32>
        %ge3A_415 = arith.cmpi sge, %sub3A_412, %ge3A_414 : vector<16xi32>
        %add3A_416 = arith.constant 1 : i32
        %add3A_417 = vector.broadcast %add3A_416 : i32 to vector<16xi32>
        %add3A_418 = arith.addi %convert_element_type3A_408, %add3A_417 : vector<16xi32>
        %select_n3A_419 = arith.select %ge3A_415, %add3A_418, %convert_element_type3A_408 : vector<16xi1>, vector<16xi32>
        %lt3A_420 = arith.constant 0 : i32
        %lt3A_421 = vector.broadcast %lt3A_420 : i32 to vector<16xi32>
        %lt3A_422 = arith.cmpi slt, %sub3A_412, %lt3A_421 : vector<16xi32>
        %sub3A_423 = arith.constant 1 : i32
        %sub3A_424 = vector.broadcast %sub3A_423 : i32 to vector<16xi32>
        %sub3A_425 = arith.subi %select_n3A_419, %sub3A_424 : vector<16xi32>
        %select_n3A_426 = arith.select %lt3A_422, %sub3A_425, %select_n3A_419 : vector<16xi1>, vector<16xi32>
        %mul3A_427 = arith.constant 4 : i32
        %mul3A_428 = vector.broadcast %mul3A_427 : i32 to vector<16xi32>
        %mul3A_429 = arith.muli %select_n3A_426, %mul3A_428 : vector<16xi32>
        %add3A_430 = arith.addi %mul3A_429, %sub3A_25 : vector<16xi32>
        %mul3A_431 = arith.constant 16 : i32
        %mul3A_432 = arith.muli %scan3A_398, %mul3A_431 : i32
        %swap3A_433 = arith.index_cast %mul3A_432 : i32 to index
        %swap3A_434 = tpu.vector_load %arg9[%swap3A_433] {strides = array<i32>} : memref<9216xi32, #tpu.memory_space<vmem>>, vector<16xi32>,
        tpu.vector_store %arg9[%swap3A_433], %add3A_430 {strides = array<i32>} : memref<9216xi32, #tpu.memory_space<vmem>>, vector<16xi32>,
        %mul3A_435 = arith.constant 16 : i32
        %mul3A_436 = arith.muli %scan3A_398, %mul3A_435 : i32
        %swap3A_437 = arith.index_cast %mul3A_436 : i32 to index
        %swap3A_438 = tpu.vector_load %arg8[%swap3A_437] {strides = array<i32>} : memref<9216xf32, #tpu.memory_space<vmem>>, vector<16xf32>,
        tpu.vector_store %arg8[%swap3A_437], %gather3A_404 {strides = array<i32>} : memref<9216xf32, #tpu.memory_space<vmem>>, vector<16xf32>,
      }
      %scan3A_83 = arith.constant 576 : i32
      "tpu.region"() ({
        %run_scoped3A = tpu.sem_alloc : memref<!tpu.dma_semaphore, #tpu.memory_space<semaphore_mem>>
        %dma_start3A = arith.constant 0 : i32
        %dma_start3A_109 = tpu.memref_slice %arg11[%dma_start3A] : memref<589824xf32, #tpu.memory_space<vmem_shared>> -> memref<589824xf32, #tpu.memory_space<vmem_shared>>
        tpu.enqueue_indirect_dma source(%arg8 : memref<9216xf32, #tpu.memory_space<vmem>>) target(%dma_start3A_109 : memref<589824xf32, #tpu.memory_space<vmem_shared>>) offsets(%arg9 : memref<9216xi32, #tpu.memory_space<vmem>>) semaphore(%run_scoped3A : memref<!tpu.dma_semaphore, #tpu.memory_space<semaphore_mem>>) {add = true}
        %dma_wait3A = arith.constant 0 : i32
        %dma_wait3A_110 = tpu.memref_slice %arg11[%dma_wait3A] : memref<589824xf32, #tpu.memory_space<vmem_shared>> -> memref<589824xf32, #tpu.memory_space<vmem_shared>>
        tpu.wait_indirect_dma semaphore(%run_scoped3A : memref<!tpu.dma_semaphore, #tpu.memory_space<semaphore_mem>>) src(%arg8 : memref<9216xf32, #tpu.memory_space<vmem>>) dst(%dma_wait3A_110 : memref<589824xf32, #tpu.memory_space<vmem_shared>>)
        tpu.yield
      }) : () -> ()
      %barrier3A_84 = arith.constant 0 : index
      tpu.barrier barrier_id(%barrier3A_84)
      %mul3A_85 = arith.constant 24 : i32
      %mul3A_86 = arith.muli %select_n3A_70, %mul3A_85 : i32
      %add3A_87 = arith.addi %mul3A_86, %add3A_76 : i32
      %mul3A_88 = arith.constant 36864 : i32
      %mul3A_89 = arith.muli %arg1, %mul3A_88 : i32
      %mul3A_90 = arith.constant 36864 : i32
      %mul3A_91 = arith.muli %arg1, %mul3A_90 : i32
      "tpu.region"() ({
        %run_scoped3A = tpu.sem_alloc : memref<!tpu.dma_semaphore, #tpu.memory_space<semaphore_mem>>
        %dma_start3A = tpu.memref_slice %arg5[%add3A_87, %mul3A_91] : memref<96x589824xf32, #tpu.memory_space<hbm>> -> memref<1x36864xf32, #tpu.memory_space<hbm>>
        %dma_start3A_109 = tpu.memref_squeeze %dma_start3A : memref<1x36864xf32, #tpu.memory_space<hbm>> -> memref<36864xf32, #tpu.memory_space<hbm>>
        %dma_start3A_110 = tpu.memref_slice %arg11[%mul3A_89] : memref<589824xf32, #tpu.memory_space<vmem_shared>> -> memref<36864xf32, #tpu.memory_space<vmem_shared>>
        tpu.enqueue_dma source(%dma_start3A_110 : memref<36864xf32, #tpu.memory_space<vmem_shared>>) target(%dma_start3A_109 : memref<36864xf32, #tpu.memory_space<hbm>>) target_semaphore(%run_scoped3A : memref<!tpu.dma_semaphore, #tpu.memory_space<semaphore_mem>>)
        %dma_wait3A = tpu.memref_slice %arg5[%add3A_87, %mul3A_91] : memref<96x589824xf32, #tpu.memory_space<hbm>> -> memref<1x36864xf32, #tpu.memory_space<hbm>>
        %dma_wait3A_111 = tpu.memref_squeeze %dma_wait3A : memref<1x36864xf32, #tpu.memory_space<hbm>> -> memref<36864xf32, #tpu.memory_space<hbm>>
        %dma_wait3A_112 = tpu.memref_slice %arg11[%mul3A_89] : memref<589824xf32, #tpu.memory_space<vmem_shared>> -> memref<36864xf32, #tpu.memory_space<vmem_shared>>
        tpu.wait_dma2 semaphore(%run_scoped3A : memref<!tpu.dma_semaphore, #tpu.memory_space<semaphore_mem>>) src(%dma_wait3A_112 : memref<36864xf32, #tpu.memory_space<vmem_shared>>) dst(%dma_wait3A_111 : memref<36864xf32, #tpu.memory_space<hbm>>)
        tpu.yield
      }) : () -> ()
      %mul3A_92 = arith.constant 36864 : i32
      %mul3A_93 = arith.muli %arg1, %mul3A_92 : i32
      %add3A_94 = arith.constant 0 : i32
      %add3A_95 = arith.addi %mul3A_93, %add3A_94 : i32
      "tpu.region"() ({
        %run_scoped3A = tpu.sem_alloc : memref<!tpu.dma_semaphore, #tpu.memory_space<semaphore_mem>>
        %dma_start3A = tpu.memref_slice %arg11[%add3A_95] : memref<589824xf32, #tpu.memory_space<vmem_shared>> -> memref<9216xf32, #tpu.memory_space<vmem_shared>>
        %dma_start3A_109 = tpu.memref_slice %arg11[%add3A_95] : memref<589824xf32, #tpu.memory_space<vmem_shared>> -> memref<9216xf32, #tpu.memory_space<vmem_shared>>
        tpu.enqueue_dma source(%arg10 : memref<9216xf32, #tpu.memory_space<vmem>>) target(%dma_start3A_109 : memref<9216xf32, #tpu.memory_space<vmem_shared>>) target_semaphore(%run_scoped3A : memref<!tpu.dma_semaphore, #tpu.memory_space<semaphore_mem>>)
        %dma_wait3A = tpu.memref_slice %arg11[%add3A_95] : memref<589824xf32, #tpu.memory_space<vmem_shared>> -> memref<9216xf32, #tpu.memory_space<vmem_shared>>
        %dma_wait3A_110 = tpu.memref_slice %arg11[%add3A_95] : memref<589824xf32, #tpu.memory_space<vmem_shared>> -> memref<9216xf32, #tpu.memory_space<vmem_shared>>
        tpu.wait_dma2 semaphore(%run_scoped3A : memref<!tpu.dma_semaphore, #tpu.memory_space<semaphore_mem>>) src(%arg10 : memref<9216xf32, #tpu.memory_space<vmem>>) dst(%dma_wait3A_110 : memref<9216xf32, #tpu.memory_space<vmem_shared>>)
        tpu.yield
      }) : () -> ()
      %mul3A_96 = arith.constant 36864 : i32
      %mul3A_97 = arith.muli %arg1, %mul3A_96 : i32
      %add3A_98 = arith.constant 9216 : i32
      %add3A_99 = arith.addi %mul3A_97, %add3A_98 : i32
      "tpu.region"() ({
        %run_scoped3A = tpu.sem_alloc : memref<!tpu.dma_semaphore, #tpu.memory_space<semaphore_mem>>
        %dma_start3A = tpu.memref_slice %arg11[%add3A_99] : memref<589824xf32, #tpu.memory_space<vmem_shared>> -> memref<9216xf32, #tpu.memory_space<vmem_shared>>
        %dma_start3A_109 = tpu.memref_slice %arg11[%add3A_99] : memref<589824xf32, #tpu.memory_space<vmem_shared>> -> memref<9216xf32, #tpu.memory_space<vmem_shared>>
        tpu.enqueue_dma source(%arg10 : memref<9216xf32, #tpu.memory_space<vmem>>) target(%dma_start3A_109 : memref<9216xf32, #tpu.memory_space<vmem_shared>>) target_semaphore(%run_scoped3A : memref<!tpu.dma_semaphore, #tpu.memory_space<semaphore_mem>>)
        %dma_wait3A = tpu.memref_slice %arg11[%add3A_99] : memref<589824xf32, #tpu.memory_space<vmem_shared>> -> memref<9216xf32, #tpu.memory_space<vmem_shared>>
        %dma_wait3A_110 = tpu.memref_slice %arg11[%add3A_99] : memref<589824xf32, #tpu.memory_space<vmem_shared>> -> memref<9216xf32, #tpu.memory_space<vmem_shared>>
        tpu.wait_dma2 semaphore(%run_scoped3A : memref<!tpu.dma_semaphore, #tpu.memory_space<semaphore_mem>>) src(%arg10 : memref<9216xf32, #tpu.memory_space<vmem>>) dst(%dma_wait3A_110 : memref<9216xf32, #tpu.memory_space<vmem_shared>>)
        tpu.yield
      }) : () -> ()
      %mul3A_100 = arith.constant 36864 : i32
      %mul3A_101 = arith.muli %arg1, %mul3A_100 : i32
      %add3A_102 = arith.constant 18432 : i32
      %add3A_103 = arith.addi %mul3A_101, %add3A_102 : i32
      "tpu.region"() ({
        %run_scoped3A = tpu.sem_alloc : memref<!tpu.dma_semaphore, #tpu.memory_space<semaphore_mem>>
        %dma_start3A = tpu.memref_slice %arg11[%add3A_103] : memref<589824xf32, #tpu.memory_space<vmem_shared>> -> memref<9216xf32, #tpu.memory_space<vmem_shared>>
        %dma_start3A_109 = tpu.memref_slice %arg11[%add3A_103] : memref<589824xf32, #tpu.memory_space<vmem_shared>> -> memref<9216xf32, #tpu.memory_space<vmem_shared>>
        tpu.enqueue_dma source(%arg10 : memref<9216xf32, #tpu.memory_space<vmem>>) target(%dma_start3A_109 : memref<9216xf32, #tpu.memory_space<vmem_shared>>) target_semaphore(%run_scoped3A : memref<!tpu.dma_semaphore, #tpu.memory_space<semaphore_mem>>)
        %dma_wait3A = tpu.memref_slice %arg11[%add3A_103] : memref<589824xf32, #tpu.memory_space<vmem_shared>> -> memref<9216xf32, #tpu.memory_space<vmem_shared>>
        %dma_wait3A_110 = tpu.memref_slice %arg11[%add3A_103] : memref<589824xf32, #tpu.memory_space<vmem_shared>> -> memref<9216xf32, #tpu.memory_space<vmem_shared>>
        tpu.wait_dma2 semaphore(%run_scoped3A : memref<!tpu.dma_semaphore, #tpu.memory_space<semaphore_mem>>) src(%arg10 : memref<9216xf32, #tpu.memory_space<vmem>>) dst(%dma_wait3A_110 : memref<9216xf32, #tpu.memory_space<vmem_shared>>)
        tpu.yield
      }) : () -> ()
      %mul3A_104 = arith.constant 36864 : i32
      %mul3A_105 = arith.muli %arg1, %mul3A_104 : i32
      %add3A_106 = arith.constant 27648 : i32
      %add3A_107 = arith.addi %mul3A_105, %add3A_106 : i32
      "tpu.region"() ({
        %run_scoped3A = tpu.sem_alloc : memref<!tpu.dma_semaphore, #tpu.memory_space<semaphore_mem>>
        %dma_start3A = tpu.memref_slice %arg11[%add3A_107] : memref<589824xf32, #tpu.memory_space<vmem_shared>> -> memref<9216xf32, #tpu.memory_space<vmem_shared>>
        %dma_start3A_109 = tpu.memref_slice %arg11[%add3A_107] : memref<589824xf32, #tpu.memory_space<vmem_shared>> -> memref<9216xf32, #tpu.memory_space<vmem_shared>>
        tpu.enqueue_dma source(%arg10 : memref<9216xf32, #tpu.memory_space<vmem>>) target(%dma_start3A_109 : memref<9216xf32, #tpu.memory_space<vmem_shared>>) target_semaphore(%run_scoped3A : memref<!tpu.dma_semaphore, #tpu.memory_space<semaphore_mem>>)
        %dma_wait3A = tpu.memref_slice %arg11[%add3A_107] : memref<589824xf32, #tpu.memory_space<vmem_shared>> -> memref<9216xf32, #tpu.memory_space<vmem_shared>>
        %dma_wait3A_110 = tpu.memref_slice %arg11[%add3A_107] : memref<589824xf32, #tpu.memory_space<vmem_shared>> -> memref<9216xf32, #tpu.memory_space<vmem_shared>>
        tpu.wait_dma2 semaphore(%run_scoped3A : memref<!tpu.dma_semaphore, #tpu.memory_space<semaphore_mem>>) src(%arg10 : memref<9216xf32, #tpu.memory_space<vmem>>) dst(%dma_wait3A_110 : memref<9216xf32, #tpu.memory_space<vmem_shared>>)
        tpu.yield
      }) : () -> ()
      %barrier3A_108 = arith.constant 0 : index
      tpu.barrier barrier_id(%barrier3A_108)
    }
    %scan3A_45 = arith.constant 48 : i32
    return
  }
}

</mosaic_0001>

<sc_bundles>
// kernel: kernel.3.cloned.1.call-start
scs
__scs_entry_jumppad:
0x0: {  	(pc) =	sbr.rel $0x88, $3  }
0x1: {  	(tag) =	ssettag $0x0;
	lr =	simm.s32 $0x1  }
0x2: {  	[smem:$0x3F9F] =	sst lr;
	_ =	strace $0xD0000000  }
0x3: {  	_ = 	snop  }
0x4: {  	_ = 	snop  }
0x5: {  	_ = 	snop  }
0x6: {  	_ = 	snop  }
0x7: {  	_ = 	snop  }
__scs_overlays_trampoline_lowered:
0x8: {  	[smem:$0x3FAE] =	sst s0  }
0x9: {  	[smem:$0x3FAF] =	sst s1  }
0xa: {  	[smem:$0x3FB0] =	sst s2  }
0xb: {  	[smem:$0x3FB1] =	sst s3  }
0xc: {  	[smem:$0x3FB2] =	sst s4  }
0xd: {  	[smem:$0x3FB3] =	sst s5  }
0xe: {  	[smem:$0x3FB4] =	sst s6  }
0xf: {  	[smem:$0x3FB5] =	sst s7  }
0x10: {  	[smem:$0x3FB6] =	sst s8  }
0x11: {  	[smem:$0x3FB7] =	sst s9;
	s0 =	simm.s32 @!p0 $0x0  }
0x12: {  	s1 =	sld [smem:$0x3F9D];
	s0 =	simm.s32 @p0 $0x1  }
0x13: {  	[smem:$0x3FB8] =	sst s0;
	s0 =	simm.s32 @!p1 $0x0  }
0x14: {  	s2 =	sld [smem:$0x3F9C];
	s0 =	simm.s32 @p1 $0x1  }
0x15: {  	[smem:$0x3FB9] =	sst s0;
	s0 =	simm.s32 @!p2 $0x0  }
0x16: {  	s3 =	sld [smem:$0x3FDB];
	s0 =	simm.s32 @p2 $0x1  }
0x17: {  	s4 =	simm.s32 $0x1BF5;
	[smem:$0x3FBB] =	sst s0  }
0x18: {  	s0 =	sld [smem:$0x3F9E];
	_ =	swait.ge [sflag:s4], $0x0  }
0x19: {  	s7 =	sld [smem:$0x3F9F]  }
0x1a: {  	s8 =	sadd.s32 $0xFFFFE003, lr  }
0x1b: {  	s9 =	sadd.s32 $0xFFFFFEF7, lr;
	s5 =	simm.s32 $0xFFFFFFFF;
	p2 =	slt.u32 s8, $0xFFFFF086  }
0x1c: {  	p1 =	slt.u32 s9, $0xF7A;
	s5 =	simm.s32 @!p2 $0x0  }
0x1d: {  	s5 =	simm.s32 @p1 $0x1;
	p0 =	seq.s32 s7, s2  }
0x1e: {  	s7 =	smul.u32 @!p0 $0xF7A, s2;
	p2 =	seq.s32 @!p0 s5, $0x0  }
0x1f: {  	s9 =	smul.u32 $0xF7A, s1;
	s8 =	simm.s32 @!p0 $0x1BF5;
	p2 =	por !p2, p0  }
0x20: {  	[sflag:s8] =	ssyncset.s32 @!p0 $0xFFFFF086;
	s6 =	sadd.s32 @!p0 s3, s7;
	s7 =	simm.s32 @!p0 $0x108  }
0x21: {  	s3 =	sadd.s32 s3, s9;
	s6 =	sadd.s32 @!p0 $0x88, s6;
	s7 =	simm.s32 @p2 $0x1082  }
0x22: {  	[simem:s7], [sflag:s8] =	dma.local @!p0 [hbm:s6], $0xF7A  }
0x23: {  	s9 =	sor.u32 $0xD0000000, s2;
	s6 =	simm.s32 $0x108;
	_ =	swait.ge @!p0 [sflag:s8], $0x0  }
0x24: {  	s3 =	sadd.s32 $0x88, s3;
	s6 =	simm.s32 @!p1 $0x1082;
	[sflag:s4] =	ssyncset.s32 $0xFFFFF086  }
0x25: {  	[simem:s6], [sflag:s4] =	dma.local [hbm:s3], $0xF7A  }
0x26: {  	[smem:$0x3F9F] =	sst s1;
	(tag) =	ssettag s2;
	_ =	strace s9  }
0x27: {  	s1 =	sld [smem:$0x3FAF]  }
0x28: {  	s2 =	sld [smem:$0x3FB0]  }
0x29: {  	s4 =	sld [smem:$0x3FB2]  }
0x2a: {  	p0 =	seq.s32 s5, $0x0;
	s5 =	sld [smem:$0x3FB3]  }
0x2b: {  	s6 =	sld [smem:$0x3FB4]  }
0x2c: {  	s7 =	sld [smem:$0x3FB5]  }
0x2d: {  	s3 =	simm.s32 $0x108;
	s8 =	sld [smem:$0x3FB6]  }
0x2e: {  	s3 =	simm.s32 @!p0 $0x1082;
	s9 =	sld [smem:$0x3FB7]  }
0x2f: {  	lr =	sadd.s32 s0, s3;
	s0 =	sld [smem:$0x3FAE]  }
0x30: {  	s3 =	sld [smem:$0x3FB1]  }
0x31: {  	[smem:$0x3FBA] =	sst s10  }
0x32: {  	s10 =	sld [smem:$0x3FB8];
	_ =	sdelay $0x3  }
0x33: {  	p0 =	seq.s32 s10, $0x1;
	s10 =	sld [smem:$0x3FBA];
	_ =	sdelay $0x3  }
0x34: {  	[smem:$0x3FBA] =	sst s10  }
0x35: {  	s10 =	sld [smem:$0x3FB9];
	_ =	sdelay $0x3  }
0x36: {  	p1 =	seq.s32 s10, $0x1;
	s10 =	sld [smem:$0x3FBA];
	_ =	sdelay $0x3  }
0x37: {  	[smem:$0x3FBA] =	sst s10  }
0x38: {  	s10 =	sld [smem:$0x3FBB]  }
0x39: {  	_ = 	snop;
	(pc) =	sbr.ind lr, $3  }
0x3a: {  	_ = 	snop  }
0x3b: {  	_ = 	snop  }
0x3c: {  	p2 =	seq.s32 s10, $0x1;
	s10 =	sld [smem:$0x3FBA]  }
0x3d: {  	_ =	shalt  }
0x3e: {  	_ =	shalt  }
0x3f: {  	_ =	shalt  }
0x40: {  	_ =	shalt  }
0x41: {  	_ =	shalt  }
0x42: {  	_ =	shalt  }
0x43: {  	_ =	shalt  }
0x44: {  	_ =	shalt  }
0x45: {  	_ =	shalt  }
0x46: {  	_ =	shalt  }
0x47: {  	_ =	shalt  }
0x48: {  	_ =	shalt  }
0x49: {  	_ =	shalt  }
0x4a: {  	_ =	shalt  }
0x4b: {  	_ =	shalt  }
0x4c: {  	_ =	shalt  }
0x4d: {  	_ =	shalt  }
0x4e: {  	_ =	shalt  }
0x4f: {  	_ =	shalt  }
0x50: {  	_ =	shalt  }
0x51: {  	_ =	shalt  }
0x52: {  	_ =	shalt  }
0x53: {  	_ =	shalt  }
0x54: {  	_ =	shalt  }
0x55: {  	_ =	shalt  }
0x56: {  	_ =	shalt  }
0x57: {  	_ =	shalt  }
0x58: {  	_ =	shalt  }
0x59: {  	_ =	shalt  }
0x5a: {  	_ =	shalt  }
0x5b: {  	_ =	shalt  }
0x5c: {  	_ =	shalt  }
0x5d: {  	_ =	shalt  }
0x5e: {  	_ =	shalt  }
0x5f: {  	_ =	shalt  }
0x60: {  	_ =	shalt  }
0x61: {  	_ =	shalt  }
0x62: {  	_ =	shalt  }
0x63: {  	_ =	shalt  }
0x64: {  	_ =	shalt  }
0x65: {  	_ =	shalt  }
0x66: {  	_ =	shalt  }
0x67: {  	_ =	shalt  }
0x68: {  	_ =	shalt  }
0x69: {  	_ =	shalt  }
0x6a: {  	_ =	shalt  }
0x6b: {  	_ =	shalt  }
0x6c: {  	_ =	shalt  }
0x6d: {  	_ =	shalt  }
0x6e: {  	_ =	shalt  }
0x6f: {  	_ =	shalt  }
0x70: {  	_ =	shalt  }
0x71: {  	_ =	shalt  }
0x72: {  	_ =	shalt  }
0x73: {  	_ =	shalt  }
0x74: {  	_ =	shalt  }
0x75: {  	_ =	shalt  }
0x76: {  	_ =	shalt  }
0x77: {  	_ =	shalt  }
0x78: {  	_ =	shalt  }
0x79: {  	_ =	shalt  }
0x7a: {  	_ =	shalt  }
0x7b: {  	_ =	shalt  }
0x7c: {  	_ =	shalt  }
0x7d: {  	_ =	shalt  }
0x7e: {  	_ =	shalt  }
0x7f: {  	_ =	shalt  }
0x80: {  	_ =	shalt  }
0x81: {  	_ =	shalt  }
0x82: {  	_ =	shalt  }
0x83: {  	_ =	shalt  }
0x84: {  	_ =	shalt  }
0x85: {  	_ =	shalt  }
0x86: {  	_ =	shalt  }
0x87: {  	_ =	shalt  }
.Lfunc_end0:
.L_simem_size_0:
called_computation.2_lowered:
.L_overlay_start_0:
0x88: {  	s2 =	sld [smem:$0x3FD9]  }
0x89: {  	s3 =	sld [smem:$0x3FFE];
	_ =	sdelay $0x1  }
0x8a: {  	s1 =	srdreg.scid  }
0x8b: {  	s0 =	sand.u32 $0x1, s1  }
0x8c: {  	s16 =	sshll.u32 s0, $0xA;
	s2 =	sadd.s32 s3, s2  }
0x8d: {  	s2 =	sadd.s32 s2, s16  }
0x8e: {  	[smem:$0x3FC6] =	sst s2  }
0x8f: {  	_ = 	snop  }
0x90: {  	(tm) =	ssettm $0x1  }
0x91: {  	s17 =	sld [smem:$0x3FFB];
	_ =	sdelay $0x3  }
0x92: {  	_ =	strace s17  }
0x93: {  	s2 =	sld [smem:$0x3FFC];
	_ =	sdelay $0x3  }
0x94: {  	_ =	strace s2  }
0x95: {  	s2 =	sld [smem:$0x3FFD];
	_ =	sdelay $0x3  }
0x96: {  	_ =	strace s2  }
0x97: {  	_ =	strace $0x8FFFFFFF  }
0x98: {  	s18 =	sld [smem:$0x3FDB];
	_ =	sdelay $0x1  }
0x99: {  	s19 =	simm.s32 $_scs_section_size  }
0x9a: {  	s4 =	simm.s32 $_size__tile_overlayer_lowered;
	s5 =	simm.s32 $_tile_overlayer_lowered  }
0x9b: {  	s22 =	simm.s32 $0x1BFF;
	s21 =	sshll.u32 s5, $0x1;
	s2 =	sadd.s32 s19, s18  }
0x9c: {  	s6 =	simm.s32 $0x0;
	s20 =	sshll.u32 s4, $0x1;
	s4 =	sadd.s32 s21, s2  }
0x9d: {  	[timem:s6], [sflag:s22] =	dma.local [hbm:s4], s20  }
0x9e: {  	_ =	swait.ge [sflag:s22], s20  }
0x9f: {  	s3 =	ssub.s32 $0x0, s20;
	[sflag:s22] =	ssyncset.done $0x0  }
0xa0: {  	[sflag:s22] =	ssyncadd.s32 s3;
	_ =	sdelay $0x1  }
0xa1: {  	s23 =	simm.s32 $0x1B8B  }
0xa2: {  	_ =	swait.ge [sflag:s23], $0x1  }
0xa3: {  	[sflag:s23] =	ssyncset.done $0x0  }
0xa4: {  	s25 =	simm.s32 $0x1B8E;
	s24 =	sld [smem:$0x3FFE];
	[sflag:s23] =	ssyncadd.s32 $0xFFFFFFFF  }
0xa5: {  	s26 =	simm.s32 $execute0_lowered;
	[smem:$0x3FD2] =	sst s25  }
0xa6: {  	s4 =	sshll.u32 s26, $0x1;
	_ =	strace $0x80000046;
	[dreg:$0x1] =	wrdreg $0xFFFFFFFF  }
0xa7: {  	s28 =	simm.s32 $_size_execute0_lowered;
	s2 =	sadd.s32 s2, s4;
	[dreg:$0x0] =	wrdreg $0x0  }
0xa8: {  	s4 =	sshll.u32 s28, $0x1;
	[dreg:$0x2] =	wrdreg s2  }
0xa9: {  	[dreg:$0x3] =	wrdreg s4  }
0xaa: {  	[dreg:$0x4] =	wrdreg $0xC0  }
0xab: {  	_ =	task [dreg:s6], $0x5FFFF  }
0xac: {  	[dreg:$0x1] =	wrdreg $0xFFFFFFFF  }
0xad: {  	[dreg:$0x0] =	wrdreg $0x60  }
0xae: {  	[dreg:$0x2] =	wrdreg s24  }
0xaf: {  	[dreg:$0x3] =	wrdreg $0xFC000  }
0xb0: {  	[dreg:$0x4] =	wrdreg $0x9  }
0xb1: {  	_ =	task.clear_ibuf [dreg:s6], $0x5FFFF;
	_ =	strace $0x90000046  }
0xb2: {  	s29 =	simm.s32 $0x9;
	_ =	strace $0x80000048  }
0xb3: {  	_ =	swait.ge [sflag:s29], $0x1  }
0xb4: {  	[sflag:s29] =	ssyncadd.s32 $0xFFFFFFFF  }
0xb5: {  	_ =	strace $0x90000048  }
0xb6: {  	_ =	sfence  }
0xb7: {  	s30 =	sld [smem:$0x0];
	_ =	sdelay $0x2  }
0xb8: {  	s31 =	sshll.u32 s1, $0xD;
	s1 =	sshrl.u32 s1, $0x2  }
0xb9: {  	s3 =	sand.u32 $0x4000, s31;
	s1 =	sadd.s32 s1, s30  }
0xba: {  	s0 =	sor.u32 s3, s0;
	s1 =	sshll.u32 s1, $0x11  }
0xbb: {  	s0 =	sor.u32 s1, s0  }
0xbc: {  	s0 =	sadd.s32 $0x8F2B, s0  }
0xbd: {  	[sflag:s0] =	ssyncadd.remote.s32 $0x1  }
0xbe: {  	_ =	sfence.sel $0xFFFF  }
0xbf: {  	[dreg:$0x0] =	wrdreg $0xFFFFFFFF;
	(pc) =	sbr.abs _section_cstart, $3  }
0xc0: {  	[dreg:$0x1] =	wrdreg $0xFFFFFFFF  }
0xc1: {  	_ =	task.clear_ibuf [dreg:s6], $0x2FFFF;
	_ =	strace $0x9FFFFFFF  }
0xc2: {  	(tm) =	ssettm $0x7FFFFFFF  }
0xc3: {  	_ =	shalt  }
tec
execute0_lowered:
.L_overlay_start_1:
0x0: {  	(tag) =	ssettag $0x1  }
0x1: {  	s0 =	rddreg [dreg:$0x0]  }
0x2: {  	s1 =	rddreg [dreg:$0x1]  }
0x3: {  	s3 =	simm.s32 $0x0;
	s5 =	srdreg.scid;
	s2 =	stileid.u32  }
0x4: {  	s16 =	simm.s32 $0xD800;
	s17 =	simm.s32 $0x1;
	s18 =	simm.s32 $0x8  }
0x5: {  	s19 =	simm.s32 $0xC0;
	s20 =	simm.s32 $0x4800;
	s21 =	simm.s32 $0x2400  }
0x6: {  	s22 =	simm.s32 $0xB400;
	s23 =	simm.s32 $0x9000;
	s24 =	simm.s32 $0x0  }
0x7: {  	[smem:$0x7FF] =	sst s3;
	s4 =	sadd.s32 $0x4200, s0;
	s6 =	smul.u32 $0x9000, s2  }
0x8: {  	s5 =	sand.u32 $0x1, s5;
	s7 =	sadd.s32 $0x364200, s0;
	s8 =	sadd.s32 $0x6C4200, s0  }
0x9: {  	s9 =	sadd.s32 $0x6C4800, s0;
	s14 =	smul.u32 $0x6C000, s2;
	s11 =	ssub.s32 $0x2, s5  }
0xa: {  	v1 =	vlaneseq.u32;
	_ =	strace $0x80000047;
	s31 =	sshrl.u32 s11, $0x1;
	s10 =	sadd.s32 s6, s1  }
0xb: {  	v0 =	vshrl.u32 v1, $0x2;
	[dreg:$0x3] =	wrdreg s8;
	s0 =	ssub.s32 s11, s31;
	s11 =	sadd.s32 $0x2400, s10  }
0xc: {  	v2 =	vimm.s32 $0x0;
	v1 =	vand.u32 $0x3, v1;
	v0 =	vmul.u32 $0x8, v0;
	s12 =	sadd.s32 $0x4800, s10;
	s13 =	sadd.s32 $0x6C00, s10;
	s15 =	smax.u32 s0, $0x1  }
.LBB2_1:
0xd: {  	s0 =	rddreg [dreg:$0x3]  }
0xe: {  	[tilespmem:s16], [sflag:$0x1] =	stream.linear.gather [hbm4b:s0+s3], $0x2400, $0x38;
	[tilespmem:$0x18C00] =	vst v63  }
0xf: {  	_ =	swait.ge [sflag:s17], $0x2400  }
0x10: {  	[sflag:s17] =	ssyncset.done $0x0  }
0x11: {  	[sflag:s17] =	ssyncadd.s32 $0xFFFFDC00  }
0x12: {  	[spmem:s10] =	stream.linear.scatter [tilespmem:s16], [sflag:$0x1], $0x2400, $0x38;
	[tilespmem:$0x18C00] =	vst v63  }
0x13: {  	_ =	swait.ge [sflag:s17], $0x2400  }
0x14: {  	[sflag:s17] =	ssyncset.done $0x0  }
0x15: {  	[sflag:s17] =	ssyncadd.s32 $0xFFFFDC00  }
0x16: {  	[spmem:s11] =	stream.linear.scatter [tilespmem:s16], [sflag:$0x1], $0x2400, $0x38;
	[tilespmem:$0x18C00] =	vst v63  }
0x17: {  	_ =	swait.ge [sflag:s17], $0x2400  }
0x18: {  	[sflag:s17] =	ssyncset.done $0x0  }
0x19: {  	[sflag:s17] =	ssyncadd.s32 $0xFFFFDC00  }
0x1a: {  	[spmem:s12] =	stream.linear.scatter [tilespmem:s16], [sflag:$0x1], $0x2400, $0x38;
	[tilespmem:$0x18C00] =	vst v63  }
0x1b: {  	_ =	swait.ge [sflag:s17], $0x2400  }
0x1c: {  	[sflag:s17] =	ssyncset.done $0x0  }
0x1d: {  	[sflag:s17] =	ssyncadd.s32 $0xFFFFDC00  }
0x1e: {  	[spmem:s13] =	stream.linear.scatter [tilespmem:s16], [sflag:$0x1], $0x2400, $0x38;
	[tilespmem:$0x18C00] =	vst v63  }
0x1f: {  	_ =	swait.ge [sflag:s17], $0x2400  }
0x20: {  	[sflag:s17] =	ssyncset.done $0x0  }
0x21: {  	[sflag:s17] =	ssyncadd.s32 $0xFFFFDC00  }
0x22: {  	s25 =	simm.s32 $0x0;
	[bflag:$0x0] =	sbarrier.arrive $0xFFFF  }
.LBB2_2:
0x23: {  	s0 =	smul.u32 $0xAB, s25;
	_ =	sdelay $0x1  }
0x24: {  	s0 =	sshrl.u32 s0, $0xB  }
0x25: {  	s26 =	sand.u32 $0x1F, s0  }
0x26: {  	s0 =	ssub.s32 s5, s26;
	s28 =	smul.u32 $0x6C0000, s26  }
0x27: {  	s0 =	smul.u32 $0xC, s0  }
0x28: {  	s29 =	sadd.s32 s14, s28  }
0x29: {  	s28 =	sadd.s32 s25, s0;
	s8 =	sshrl.u32 s29, $0x3  }
0x2a: {  	s0 =	sadd.s32 s28, s8  }
0x2b: {  	s0 =	sand.u32 $0x1FFFFFFF, s0  }
0x2c: {  	s30 =	simm.s32 $0x0;
	s29 =	sadd.s32 s7, s0  }
0x2d: {  	v3 =	vmov s30;
	[tilespmem:s3], [sflag:$0x1] =	stream.strided.gather [hbm4b:s29+s18], $0x4800, s19, s18, $0x38;
	[tilespmem:$0x18C00] =	vst v63  }
0x2e: {  	v3 =	vshll.u32 v3, $0x3;
	_ =	swait.ge [sflag:s17], $0x4800  }
0x2f: {  	v3 =	vor.u32 v0, v3;
	[sflag:s17] =	ssyncset.done $0x0  }
0x30: {  	v3 =	vor.u32 v1, v3;
	s0 =	sadd.s32 s4, s0;
	[sflag:s17] =	ssyncadd.s32 $0xFFFFB800  }
0x31: {  	[tilespmem:s20], [sflag:$0x1] =	stream.strided.gather [hbm4b:s0+s18], $0x4800, s19, s18, $0x38;
	[tilespmem:$0x18C00] =	vst v63  }
0x32: {  	_ =	swait.ge [sflag:s17], $0x4800  }
0x33: {  	[sflag:s17] =	ssyncset.done $0x0  }
0x34: {  	[sflag:s17] =	ssyncadd.s32 $0xFFFFB800  }
0x35: {  	v4 =	vld.idx.msk [tilespmem:v3+s3+$0x0], $0xffff;
	_ =	sdelay $0x4  }
0x36: {  	v5 =	vcvt.s32.f32 v4;
	_ =	sdelay $0x1  }
0x37: {  	v5 =	vmul.f32 $1.041666700e-02, v5;
	_ =	sdelay $0x1  }
0x38: {  	v5 =	vtrunc.f32 v5  }
0x39: {  	v5 =	vcvt.f32.s32 v5;
	_ =	sdelay $0x1  }
0x3a: {  	v6 =	vmul.u32 $0xFFFFFFA0, v5  }
0x3b: {  	s8 =	simm.s32 $0x4  }
0x3c: {  	v4 =	vadd.s32 v4, v6;
	v6 =	vmov s8  }
0x3d: {  	vm0 =	vgt.s32 v4, $0x5F;
	v4 =	vshra.s32 v4, $0x1F;
	v6 =	vshll.u32 v6, $0x3  }
0x3e: {  	v3 =	vld.idx.msk [tilespmem:v3+s20+$0x0], $0xffff;
	v7 =	vsel vm0, $0x1, v2;
	v4 =	vadd.s32 v5, v4;
	v5 =	vor.u32 v0, v6  }
0x3f: {  	v4 =	vadd.s32 v7, v4;
	v5 =	vor.u32 v1, v5  }
0x40: {  	v4 =	vshll.u32 v4, $0x2  }
0x41: {  	s30 =	simm.s32 $0xB440;
	v4 =	vor.u32 v1, v4  }
0x42: {  	s29 =	simm.s32 $0x9040;
	[tilespmem:s30+$0xFFFFFFC0] =	vst v4  }
0x43: {  	[tilespmem:s29+$0xFFFFFFC0] =	vst v3  }
0x44: {  	v3 =	vld.idx.msk [tilespmem:v5+s3+$0x0], $0xffff;
	_ =	sdelay $0x4  }
0x45: {  	v4 =	vcvt.s32.f32 v3;
	_ =	sdelay $0x1  }
0x46: {  	v4 =	vmul.f32 $1.041666700e-02, v4;
	_ =	sdelay $0x1  }
0x47: {  	v4 =	vtrunc.f32 v4  }
0x48: {  	v4 =	vcvt.f32.s32 v4;
	_ =	sdelay $0x1  }
0x49: {  	v6 =	vmul.u32 $0xFFFFFFA0, v4  }
0x4a: {  	s8 =	simm.s32 $0x8  }
0x4b: {  	v3 =	vadd.s32 v3, v6;
	v6 =	vmov s8  }
0x4c: {  	vm9 =	vgt.s32 v3, $0x5F;
	v3 =	vshra.s32 v3, $0x1F;
	v6 =	vshll.u32 v6, $0x3  }
0x4d: {  	v5 =	vld.idx.msk [tilespmem:v5+s20+$0x0], $0xffff;
	v7 =	vsel vm9, $0x1, v2;
	v3 =	vadd.s32 v4, v3;
	v4 =	vor.u32 v0, v6  }
0x4e: {  	v3 =	vadd.s32 v7, v3;
	v4 =	vor.u32 v1, v4  }
0x4f: {  	v3 =	vshll.u32 v3, $0x2  }
0x50: {  	v3 =	vor.u32 v1, v3  }
0x51: {  	[tilespmem:s30+$0xFFFFFFD0] =	vst v3  }
0x52: {  	[tilespmem:s29+$0xFFFFFFD0] =	vst v5  }
0x53: {  	v3 =	vld.idx.msk [tilespmem:v4+s3+$0x0], $0xffff;
	_ =	sdelay $0x4  }
0x54: {  	v5 =	vcvt.s32.f32 v3;
	_ =	sdelay $0x1  }
0x55: {  	v5 =	vmul.f32 $1.041666700e-02, v5;
	_ =	sdelay $0x1  }
0x56: {  	v5 =	vtrunc.f32 v5  }
0x57: {  	v5 =	vcvt.f32.s32 v5;
	_ =	sdelay $0x1  }
0x58: {  	v6 =	vmul.u32 $0xFFFFFFA0, v5  }
0x59: {  	s8 =	simm.s32 $0xC  }
0x5a: {  	v3 =	vadd.s32 v3, v6;
	v6 =	vmov s8  }
0x5b: {  	vm10 =	vgt.s32 v3, $0x5F;
	v3 =	vshra.s32 v3, $0x1F;
	v6 =	vshll.u32 v6, $0x3  }
0x5c: {  	v4 =	vld.idx.msk [tilespmem:v4+s20+$0x0], $0xffff;
	v7 =	vsel vm10, $0x1, v2;
	v3 =	vadd.s32 v5, v3;
	v5 =	vor.u32 v0, v6  }
0x5d: {  	v3 =	vadd.s32 v7, v3;
	v5 =	vor.u32 v1, v5  }
0x5e: {  	v3 =	vshll.u32 v3, $0x2  }
0x5f: {  	v3 =	vor.u32 v1, v3  }
0x60: {  	[tilespmem:s30+$0xFFFFFFE0] =	vst v3  }
0x61: {  	[tilespmem:s29+$0xFFFFFFE0] =	vst v4  }
0x62: {  	v3 =	vld.idx.msk [tilespmem:v5+s3+$0x0], $0xffff;
	_ =	sdelay $0x4  }
0x63: {  	v4 =	vcvt.s32.f32 v3;
	_ =	sdelay $0x1  }
0x64: {  	v4 =	vmul.f32 $1.041666700e-02, v4;
	_ =	sdelay $0x1  }
0x65: {  	v4 =	vtrunc.f32 v4  }
0x66: {  	v4 =	vcvt.f32.s32 v4;
	_ =	sdelay $0x1  }
0x67: {  	v6 =	vmul.u32 $0xFFFFFFA0, v4  }
0x68: {  	s8 =	simm.s32 $0x10  }
0x69: {  	v3 =	vadd.s32 v3, v6;
	v6 =	vmov s8  }
0x6a: {  	vm11 =	vgt.s32 v3, $0x5F;
	v3 =	vshra.s32 v3, $0x1F;
	v6 =	vshll.u32 v6, $0x3  }
0x6b: {  	v5 =	vld.idx.msk [tilespmem:v5+s20+$0x0], $0xffff;
	v7 =	vsel vm11, $0x1, v2;
	v3 =	vadd.s32 v4, v3;
	v4 =	vor.u32 v0, v6  }
0x6c: {  	v3 =	vadd.s32 v7, v3;
	v4 =	vor.u32 v1, v4  }
0x6d: {  	v3 =	vshll.u32 v3, $0x2  }
0x6e: {  	v3 =	vor.u32 v1, v3  }
0x6f: {  	[tilespmem:s30+$0xFFFFFFF0] =	vst v3  }
0x70: {  	[tilespmem:s29+$0xFFFFFFF0] =	vst v5  }
0x71: {  	v3 =	vld.idx.msk [tilespmem:v4+s3+$0x0], $0xffff;
	_ =	sdelay $0x4  }
0x72: {  	v5 =	vcvt.s32.f32 v3;
	_ =	sdelay $0x1  }
0x73: {  	v5 =	vmul.f32 $1.041666700e-02, v5;
	_ =	sdelay $0x1  }
0x74: {  	v5 =	vtrunc.f32 v5  }
0x75: {  	v5 =	vcvt.f32.s32 v5;
	_ =	sdelay $0x1  }
0x76: {  	v6 =	vmul.u32 $0xFFFFFFA0, v5  }
0x77: {  	s8 =	simm.s32 $0x14  }
0x78: {  	v3 =	vadd.s32 v3, v6;
	v6 =	vmov s8  }
0x79: {  	vm12 =	vgt.s32 v3, $0x5F;
	v3 =	vshra.s32 v3, $0x1F;
	v6 =	vshll.u32 v6, $0x3  }
0x7a: {  	v4 =	vld.idx.msk [tilespmem:v4+s20+$0x0], $0xffff;
	v7 =	vsel vm12, $0x1, v2;
	v3 =	vadd.s32 v5, v3;
	v5 =	vor.u32 v0, v6  }
0x7b: {  	v3 =	vadd.s32 v7, v3;
	v5 =	vor.u32 v1, v5  }
0x7c: {  	v3 =	vshll.u32 v3, $0x2  }
0x7d: {  	v3 =	vor.u32 v1, v3  }
0x7e: {  	[tilespmem:s30+$0x0] =	vst v3  }
0x7f: {  	[tilespmem:s29+$0x0] =	vst v4  }
0x80: {  	v3 =	vld.idx.msk [tilespmem:v5+s3+$0x0], $0xffff;
	_ =	sdelay $0x4  }
0x81: {  	v4 =	vcvt.s32.f32 v3;
	_ =	sdelay $0x1  }
0x82: {  	v4 =	vmul.f32 $1.041666700e-02, v4;
	_ =	sdelay $0x1  }
0x83: {  	v4 =	vtrunc.f32 v4  }
0x84: {  	v4 =	vcvt.f32.s32 v4;
	_ =	sdelay $0x1  }
0x85: {  	v6 =	vmul.u32 $0xFFFFFFA0, v4  }
0x86: {  	s8 =	simm.s32 $0x18  }
0x87: {  	v3 =	vadd.s32 v3, v6;
	v6 =	vmov s8  }
0x88: {  	vm13 =	vgt.s32 v3, $0x5F;
	v3 =	vshra.s32 v3, $0x1F;
	v6 =	vshll.u32 v6, $0x3  }
0x89: {  	v5 =	vld.idx.msk [tilespmem:v5+s20+$0x0], $0xffff;
	v7 =	vsel vm13, $0x1, v2;
	v3 =	vadd.s32 v4, v3;
	v4 =	vor.u32 v0, v6  }
0x8a: {  	v3 =	vadd.s32 v7, v3;
	v4 =	vor.u32 v1, v4  }
0x8b: {  	v3 =	vshll.u32 v3, $0x2  }
0x8c: {  	v3 =	vor.u32 v1, v3  }
0x8d: {  	[tilespmem:s30+$0x10] =	vst v3  }
0x8e: {  	[tilespmem:s29+$0x10] =	vst v5  }
0x8f: {  	v3 =	vld.idx.msk [tilespmem:v4+s3+$0x0], $0xffff;
	_ =	sdelay $0x4  }
0x90: {  	v5 =	vcvt.s32.f32 v3;
	_ =	sdelay $0x1  }
0x91: {  	v5 =	vmul.f32 $1.041666700e-02, v5;
	_ =	sdelay $0x1  }
0x92: {  	v5 =	vtrunc.f32 v5  }
0x93: {  	v5 =	vcvt.f32.s32 v5;
	_ =	sdelay $0x1  }
0x94: {  	v6 =	vmul.u32 $0xFFFFFFA0, v5  }
0x95: {  	s8 =	simm.s32 $0x1C  }
0x96: {  	v3 =	vadd.s32 v3, v6;
	v6 =	vmov s8  }
0x97: {  	vm14 =	vgt.s32 v3, $0x5F;
	v3 =	vshra.s32 v3, $0x1F;
	v6 =	vshll.u32 v6, $0x3  }
0x98: {  	v4 =	vld.idx.msk [tilespmem:v4+s20+$0x0], $0xffff;
	v7 =	vsel vm14, $0x1, v2;
	v3 =	vadd.s32 v5, v3;
	v5 =	vor.u32 v0, v6  }
0x99: {  	v3 =	vadd.s32 v7, v3;
	v5 =	vor.u32 v1, v5  }
0x9a: {  	v3 =	vshll.u32 v3, $0x2  }
0x9b: {  	v3 =	vor.u32 v1, v3  }
0x9c: {  	[tilespmem:s30+$0x20] =	vst v3  }
0x9d: {  	[tilespmem:s29+$0x20] =	vst v4  }
0x9e: {  	v3 =	vld.idx.msk [tilespmem:v5+s3+$0x0], $0xffff;
	_ =	sdelay $0x4  }
0x9f: {  	v4 =	vcvt.s32.f32 v3;
	_ =	sdelay $0x1  }
0xa0: {  	v4 =	vmul.f32 $1.041666700e-02, v4;
	_ =	sdelay $0x1  }
0xa1: {  	v4 =	vtrunc.f32 v4  }
0xa2: {  	v4 =	vcvt.f32.s32 v4;
	_ =	sdelay $0x1  }
0xa3: {  	v6 =	vmul.u32 $0xFFFFFFA0, v4;
	_ =	sdelay $0x1  }
0xa4: {  	v3 =	vadd.s32 v3, v6  }
0xa5: {  	s8 =	simm.s32 $0x20;
	vm15 =	vgt.s32 v3, $0x5F;
	v3 =	vshra.s32 v3, $0x1F  }
0xa6: {  	v6 =	vsel vm15, $0x1, v2;
	v3 =	vadd.s32 v4, v3;
	v4 =	vmov s8  }
0xa7: {  	v3 =	vadd.s32 v6, v3;
	v6 =	vshll.u32 v4, $0x3  }
0xa8: {  	v4 =	vld.idx.msk [tilespmem:v5+s20+$0x0], $0xffff;
	v3 =	vshll.u32 v3, $0x2;
	v5 =	vor.u32 v0, v6  }
0xa9: {  	v6 =	vor.u32 v1, v3;
	v3 =	vor.u32 v1, v5;
	_ =	sdelay $0x2  }
0xaa: {  	s31 =	simm.s32 $0x3C;
	s0 =	simm.s32 $0x8;
	[tilespmem:s30+$0x30] =	vst v6  }
.LBB2_3:
0xab: {  	s0 =	sadd.s32 $0x8, s0;
	[tilespmem:s29+$0x30] =	vst v4;
	s29 =	sadd.s32 $0x80, s29;
	s30 =	sadd.s32 $0x80, s30  }
0xac: {  	p0 =	slt.u32 s0, $0x238;
	v4 =	vld.idx.msk [tilespmem:v3+s3+$0x0], $0xffff;
	_ =	sdelay $0x5  }
0xad: {  	v5 =	vcvt.s32.f32 v4;
	_ =	sdelay $0x1  }
0xae: {  	v5 =	vmul.f32 $1.041666700e-02, v5;
	_ =	sdelay $0x1  }
0xaf: {  	v5 =	vtrunc.f32 v5  }
0xb0: {  	v5 =	vcvt.f32.s32 v5;
	_ =	sdelay $0x1  }
0xb1: {  	v6 =	vmul.u32 $0xFFFFFFA0, v5  }
0xb2: {  	s8 =	sadd.s32 $0xFFFFFFE8, s31  }
0xb3: {  	v4 =	vadd.s32 v4, v6;
	v6 =	vmov s8  }
0xb4: {  	vm0 =	vgt.s32 v4, $0x5F;
	v4 =	vshra.s32 v4, $0x1F;
	v6 =	vshll.u32 v6, $0x3;
	v3 =	vld.idx.msk [tilespmem:v3+s20+$0x0], $0xffff  }
0xb5: {  	v7 =	vsel vm0, $0x1, v2;
	v4 =	vadd.s32 v5, v4;
	v5 =	vor.u32 v0, v6  }
0xb6: {  	v4 =	vadd.s32 v7, v4;
	v5 =	vor.u32 v1, v5  }
0xb7: {  	v4 =	vshll.u32 v4, $0x2  }
0xb8: {  	v4 =	vor.u32 v1, v4  }
0xb9: {  	[tilespmem:s30+$0xFFFFFFC0] =	vst v4  }
0xba: {  	[tilespmem:s29+$0xFFFFFFC0] =	vst v3  }
0xbb: {  	v3 =	vld.idx.msk [tilespmem:v5+s3+$0x0], $0xffff;
	_ =	sdelay $0x5  }
0xbc: {  	v4 =	vcvt.s32.f32 v3;
	_ =	sdelay $0x1  }
0xbd: {  	v4 =	vmul.f32 $1.041666700e-02, v4;
	_ =	sdelay $0x1  }
0xbe: {  	v4 =	vtrunc.f32 v4  }
0xbf: {  	v4 =	vcvt.f32.s32 v4;
	_ =	sdelay $0x1  }
0xc0: {  	v6 =	vmul.u32 $0xFFFFFFA0, v4  }
0xc1: {  	s8 =	sadd.s32 $0xFFFFFFEC, s31  }
0xc2: {  	v3 =	vadd.s32 v3, v6;
	v6 =	vmov s8  }
0xc3: {  	vm0 =	vgt.s32 v3, $0x5F;
	v3 =	vshra.s32 v3, $0x1F;
	v6 =	vshll.u32 v6, $0x3;
	v5 =	vld.idx.msk [tilespmem:v5+s20+$0x0], $0xffff  }
0xc4: {  	v7 =	vsel vm0, $0x1, v2;
	v3 =	vadd.s32 v4, v3;
	v4 =	vor.u32 v0, v6  }
0xc5: {  	v3 =	vadd.s32 v7, v3;
	v4 =	vor.u32 v1, v4  }
0xc6: {  	v3 =	vshll.u32 v3, $0x2  }
0xc7: {  	v3 =	vor.u32 v1, v3  }
0xc8: {  	[tilespmem:s30+$0xFFFFFFD0] =	vst v3  }
0xc9: {  	[tilespmem:s29+$0xFFFFFFD0] =	vst v5  }
0xca: {  	v3 =	vld.idx.msk [tilespmem:v4+s3+$0x0], $0xffff;
	_ =	sdelay $0x5  }
0xcb: {  	v5 =	vcvt.s32.f32 v3;
	_ =	sdelay $0x1  }
0xcc: {  	v5 =	vmul.f32 $1.041666700e-02, v5;
	_ =	sdelay $0x1  }
0xcd: {  	v5 =	vtrunc.f32 v5  }
0xce: {  	v5 =	vcvt.f32.s32 v5;
	_ =	sdelay $0x1  }
0xcf: {  	v6 =	vmul.u32 $0xFFFFFFA0, v5  }
0xd0: {  	s8 =	sadd.s32 $0xFFFFFFF0, s31  }
0xd1: {  	v3 =	vadd.s32 v3, v6;
	v6 =	vmov s8  }
0xd2: {  	vm0 =	vgt.s32 v3, $0x5F;
	v3 =	vshra.s32 v3, $0x1F;
	v6 =	vshll.u32 v6, $0x3;
	v4 =	vld.idx.msk [tilespmem:v4+s20+$0x0], $0xffff  }
0xd3: {  	v7 =	vsel vm0, $0x1, v2;
	v3 =	vadd.s32 v5, v3;
	v5 =	vor.u32 v0, v6  }
0xd4: {  	v3 =	vadd.s32 v7, v3;
	v5 =	vor.u32 v1, v5  }
0xd5: {  	v3 =	vshll.u32 v3, $0x2  }
0xd6: {  	v3 =	vor.u32 v1, v3  }
0xd7: {  	[tilespmem:s30+$0xFFFFFFE0] =	vst v3  }
0xd8: {  	[tilespmem:s29+$0xFFFFFFE0] =	vst v4  }
0xd9: {  	v3 =	vld.idx.msk [tilespmem:v5+s3+$0x0], $0xffff;
	_ =	sdelay $0x5  }
0xda: {  	v4 =	vcvt.s32.f32 v3;
	_ =	sdelay $0x1  }
0xdb: {  	v4 =	vmul.f32 $1.041666700e-02, v4;
	_ =	sdelay $0x1  }
0xdc: {  	v4 =	vtrunc.f32 v4  }
0xdd: {  	v4 =	vcvt.f32.s32 v4;
	_ =	sdelay $0x1  }
0xde: {  	v6 =	vmul.u32 $0xFFFFFFA0, v4  }
0xdf: {  	s8 =	sadd.s32 $0xFFFFFFF4, s31  }
0xe0: {  	v3 =	vadd.s32 v3, v6;
	v6 =	vmov s8  }
0xe1: {  	vm0 =	vgt.s32 v3, $0x5F;
	v3 =	vshra.s32 v3, $0x1F;
	v6 =	vshll.u32 v6, $0x3;
	v5 =	vld.idx.msk [tilespmem:v5+s20+$0x0], $0xffff  }
0xe2: {  	v7 =	vsel vm0, $0x1, v2;
	v3 =	vadd.s32 v4, v3;
	v4 =	vor.u32 v0, v6  }
0xe3: {  	v3 =	vadd.s32 v7, v3;
	v4 =	vor.u32 v1, v4  }
0xe4: {  	v3 =	vshll.u32 v3, $0x2  }
0xe5: {  	v3 =	vor.u32 v1, v3  }
0xe6: {  	[tilespmem:s30+$0xFFFFFFF0] =	vst v3  }
0xe7: {  	[tilespmem:s29+$0xFFFFFFF0] =	vst v5  }
0xe8: {  	v3 =	vld.idx.msk [tilespmem:v4+s3+$0x0], $0xffff;
	_ =	sdelay $0x5  }
0xe9: {  	v5 =	vcvt.s32.f32 v3;
	_ =	sdelay $0x1  }
0xea: {  	v5 =	vmul.f32 $1.041666700e-02, v5;
	_ =	sdelay $0x1  }
0xeb: {  	v5 =	vtrunc.f32 v5  }
0xec: {  	v5 =	vcvt.f32.s32 v5;
	_ =	sdelay $0x1  }
0xed: {  	v6 =	vmul.u32 $0xFFFFFFA0, v5  }
0xee: {  	s8 =	sadd.s32 $0xFFFFFFF8, s31  }
0xef: {  	v3 =	vadd.s32 v3, v6;
	v6 =	vmov s8  }
0xf0: {  	vm0 =	vgt.s32 v3, $0x5F;
	v3 =	vshra.s32 v3, $0x1F;
	v6 =	vshll.u32 v6, $0x3;
	v4 =	vld.idx.msk [tilespmem:v4+s20+$0x0], $0xffff  }
0xf1: {  	v7 =	vsel vm0, $0x1, v2;
	v3 =	vadd.s32 v5, v3;
	v5 =	vor.u32 v0, v6  }
0xf2: {  	v3 =	vadd.s32 v7, v3;
	v5 =	vor.u32 v1, v5  }
0xf3: {  	v3 =	vshll.u32 v3, $0x2  }
0xf4: {  	v3 =	vor.u32 v1, v3  }
0xf5: {  	[tilespmem:s30+$0x0] =	vst v3  }
0xf6: {  	[tilespmem:s29+$0x0] =	vst v4  }
0xf7: {  	v3 =	vld.idx.msk [tilespmem:v5+s3+$0x0], $0xffff  }
0xf8: {  	v4 =	vld.idx.msk [tilespmem:v5+s20+$0x0], $0xffff;
	_ =	sdelay $0x4  }
0xf9: {  	v5 =	vcvt.s32.f32 v3;
	_ =	sdelay $0x1  }
0xfa: {  	v5 =	vmul.f32 $1.041666700e-02, v5;
	_ =	sdelay $0x1  }
0xfb: {  	v5 =	vtrunc.f32 v5  }
0xfc: {  	v5 =	vcvt.f32.s32 v5;
	_ =	sdelay $0x1  }
0xfd: {  	v6 =	vmul.u32 $0xFFFFFFA0, v5  }
0xfe: {  	s8 =	sadd.s32 $0xFFFFFFFC, s31  }
0xff: {  	v3 =	vadd.s32 v3, v6;
	v6 =	vmov s8  }
0x100: {  	vm0 =	vgt.s32 v3, $0x5F;
	v3 =	vshra.s32 v3, $0x1F;
	v6 =	vshll.u32 v6, $0x3  }
0x101: {  	v7 =	vsel vm0, $0x1, v2;
	v3 =	vadd.s32 v5, v3;
	v5 =	vor.u32 v0, v6  }
0x102: {  	v3 =	vadd.s32 v7, v3;
	v5 =	vor.u32 v1, v5  }
0x103: {  	v3 =	vshll.u32 v3, $0x2  }
0x104: {  	v3 =	vor.u32 v1, v3  }
0x105: {  	[tilespmem:s30+$0x10] =	vst v3  }
0x106: {  	[tilespmem:s29+$0x10] =	vst v4  }
0x107: {  	v3 =	vld.idx.msk [tilespmem:v5+s3+$0x0], $0xffff  }
0x108: {  	v4 =	vld.idx.msk [tilespmem:v5+s20+$0x0], $0xffff;
	_ =	sdelay $0x4  }
0x109: {  	v5 =	vcvt.s32.f32 v3;
	_ =	sdelay $0x1  }
0x10a: {  	v5 =	vmul.f32 $1.041666700e-02, v5;
	_ =	sdelay $0x1  }
0x10b: {  	v5 =	vtrunc.f32 v5  }
0x10c: {  	v5 =	vcvt.f32.s32 v5;
	_ =	sdelay $0x1  }
0x10d: {  	v6 =	vmul.u32 $0xFFFFFFA0, v5;
	_ =	sdelay $0x1  }
0x10e: {  	v3 =	vadd.s32 v3, v6;
	v6 =	vmov s31  }
0x10f: {  	vm0 =	vgt.s32 v3, $0x5F;
	v3 =	vshra.s32 v3, $0x1F;
	v6 =	vshll.u32 v6, $0x3  }
0x110: {  	v7 =	vsel vm0, $0x1, v2;
	v3 =	vadd.s32 v5, v3;
	v5 =	vor.u32 v0, v6  }
0x111: {  	v3 =	vadd.s32 v7, v3;
	v5 =	vor.u32 v1, v5  }
0x112: {  	v3 =	vshll.u32 v3, $0x2  }
0x113: {  	v3 =	vor.u32 v1, v3  }
0x114: {  	[tilespmem:s30+$0x20] =	vst v3  }
0x115: {  	[tilespmem:s29+$0x20] =	vst v4  }
0x116: {  	v3 =	vld.idx.msk [tilespmem:v5+s3+$0x0], $0xffff  }
0x117: {  	v4 =	vld.idx.msk [tilespmem:v5+s20+$0x0], $0xffff;
	_ =	sdelay $0x4  }
0x118: {  	v5 =	vcvt.s32.f32 v3;
	_ =	sdelay $0x1  }
0x119: {  	v5 =	vmul.f32 $1.041666700e-02, v5;
	_ =	sdelay $0x1  }
0x11a: {  	v5 =	vtrunc.f32 v5  }
0x11b: {  	v5 =	vcvt.f32.s32 v5;
	_ =	sdelay $0x1  }
0x11c: {  	s31 =	sadd.s32 $0x20, s31;
	v6 =	vmul.u32 $0xFFFFFFA0, v5  }
0x11d: {  	s8 =	sadd.s32 $0xFFFFFFE4, s31  }
0x11e: {  	v7 =	vmov s8;
	v3 =	vadd.s32 v3, v6  }
0x11f: {  	v6 =	vshll.u32 v7, $0x3;
	vm0 =	vgt.s32 v3, $0x5F;
	v3 =	vshra.s32 v3, $0x1F  }
.Ltmp0:
0x120: {  	v6 =	vor.u32 v0, v6;
	v7 =	vsel vm0, $0x1, v2;
	v5 =	vadd.s32 v5, v3;
	(pc) =	sbr.rel @p0 .LBB2_3-.Ltmp0, $4  }
0x121: {  	v3 =	vor.u32 v1, v6;
	v5 =	vadd.s32 v7, v5  }
0x122: {  	v5 =	vshll.u32 v5, $0x2  }
0x123: {  	v5 =	vor.u32 v1, v5  }
0x124: {  	[tilespmem:s30+$0x30] =	vst v5  }
0x125: {  	_ =	sdelay $0x2  }
0x126: {  	[tilespmem:s29+$0x30] =	vst v4  }
0x127: {  	v4 =	vld.idx.msk [tilespmem:v3+s3+$0x0], $0xffff;
	_ =	sdelay $0x4  }
0x128: {  	v5 =	vcvt.s32.f32 v4;
	_ =	sdelay $0x1  }
0x129: {  	v5 =	vmul.f32 $1.041666700e-02, v5;
	_ =	sdelay $0x1  }
0x12a: {  	v5 =	vtrunc.f32 v5  }
0x12b: {  	v5 =	vcvt.f32.s32 v5;
	_ =	sdelay $0x1  }
0x12c: {  	v6 =	vmul.u32 $0xFFFFFFA0, v5  }
0x12d: {  	s0 =	sadd.s32 $0xFFFFFFE8, s31  }
0x12e: {  	v29 =	vmov s0;
	v4 =	vadd.s32 v4, v6  }
0x12f: {  	v6 =	vshll.u32 v29, $0x3;
	vm0 =	vgt.s32 v4, $0x5F;
	v4 =	vshra.s32 v4, $0x1F  }
0x130: {  	v3 =	vld.idx.msk [tilespmem:v3+s20+$0x0], $0xffff;
	v30 =	vor.u32 v0, v6;
	v7 =	vsel vm0, $0x1, v2;
	v4 =	vadd.s32 v5, v4  }
0x131: {  	v5 =	vor.u32 v1, v30;
	v4 =	vadd.s32 v7, v4  }
0x132: {  	v4 =	vshll.u32 v4, $0x2  }
0x133: {  	s0 =	sadd.s32 $0x80, s30;
	v4 =	vor.u32 v1, v4  }
0x134: {  	s29 =	sadd.s32 $0x80, s29;
	[tilespmem:s0+$0xFFFFFFC0] =	vst v4  }
0x135: {  	[tilespmem:s29+$0xFFFFFFC0] =	vst v3  }
0x136: {  	v3 =	vld.idx.msk [tilespmem:v5+s3+$0x0], $0xffff;
	_ =	sdelay $0x4  }
0x137: {  	v31 =	vcvt.s32.f32 v3;
	_ =	sdelay $0x1  }
0x138: {  	v4 =	vmul.f32 $1.041666700e-02, v31;
	_ =	sdelay $0x1  }
0x139: {  	v4 =	vtrunc.f32 v4  }
0x13a: {  	v4 =	vcvt.f32.s32 v4;
	_ =	sdelay $0x1  }
0x13b: {  	v32 =	vmul.u32 $0xFFFFFFA0, v4  }
0x13c: {  	s8 =	sadd.s32 $0xFFFFFFEC, s31  }
0x13d: {  	v33 =	vmov s8;
	v3 =	vadd.s32 v3, v32  }
0x13e: {  	v6 =	vshll.u32 v33, $0x3;
	vm9 =	vgt.s32 v3, $0x5F;
	v3 =	vshra.s32 v3, $0x1F  }
0x13f: {  	v35 =	vor.u32 v0, v6;
	v5 =	vld.idx.msk [tilespmem:v5+s20+$0x0], $0xffff;
	v34 =	vsel vm9, $0x1, v2;
	v3 =	vadd.s32 v4, v3  }
0x140: {  	v4 =	vor.u32 v1, v35;
	v3 =	vadd.s32 v34, v3  }
0x141: {  	v3 =	vshll.u32 v3, $0x2  }
0x142: {  	v3 =	vor.u32 v1, v3  }
0x143: {  	[tilespmem:s0+$0xFFFFFFD0] =	vst v3  }
0x144: {  	[tilespmem:s29+$0xFFFFFFD0] =	vst v5  }
0x145: {  	v3 =	vld.idx.msk [tilespmem:v4+s3+$0x0], $0xffff;
	_ =	sdelay $0x4  }
0x146: {  	v36 =	vcvt.s32.f32 v3;
	_ =	sdelay $0x1  }
0x147: {  	v5 =	vmul.f32 $1.041666700e-02, v36;
	_ =	sdelay $0x1  }
0x148: {  	v5 =	vtrunc.f32 v5  }
0x149: {  	v5 =	vcvt.f32.s32 v5;
	_ =	sdelay $0x1  }
0x14a: {  	v37 =	vmul.u32 $0xFFFFFFA0, v5  }
0x14b: {  	s30 =	sadd.s32 $0xFFFFFFF0, s31  }
0x14c: {  	v38 =	vmov s30;
	v3 =	vadd.s32 v3, v37  }
0x14d: {  	v6 =	vshll.u32 v38, $0x3;
	vm10 =	vgt.s32 v3, $0x5F;
	v3 =	vshra.s32 v3, $0x1F  }
0x14e: {  	v40 =	vor.u32 v0, v6;
	v4 =	vld.idx.msk [tilespmem:v4+s20+$0x0], $0xffff;
	v39 =	vsel vm10, $0x1, v2;
	v3 =	vadd.s32 v5, v3  }
0x14f: {  	v5 =	vor.u32 v1, v40;
	v3 =	vadd.s32 v39, v3  }
0x150: {  	v3 =	vshll.u32 v3, $0x2  }
0x151: {  	v3 =	vor.u32 v1, v3  }
0x152: {  	[tilespmem:s0+$0xFFFFFFE0] =	vst v3  }
0x153: {  	[tilespmem:s29+$0xFFFFFFE0] =	vst v4  }
0x154: {  	v3 =	vld.idx.msk [tilespmem:v5+s3+$0x0], $0xffff;
	_ =	sdelay $0x4  }
0x155: {  	v41 =	vcvt.s32.f32 v3;
	_ =	sdelay $0x1  }
0x156: {  	v4 =	vmul.f32 $1.041666700e-02, v41;
	_ =	sdelay $0x1  }
0x157: {  	v4 =	vtrunc.f32 v4  }
0x158: {  	v4 =	vcvt.f32.s32 v4;
	_ =	sdelay $0x1  }
0x159: {  	v42 =	vmul.u32 $0xFFFFFFA0, v4  }
0x15a: {  	s30 =	sadd.s32 $0xFFFFFFF4, s31  }
0x15b: {  	v43 =	vmov s30;
	v3 =	vadd.s32 v3, v42  }
0x15c: {  	v6 =	vshll.u32 v43, $0x3;
	vm11 =	vgt.s32 v3, $0x5F;
	v3 =	vshra.s32 v3, $0x1F  }
0x15d: {  	v45 =	vor.u32 v0, v6;
	v5 =	vld.idx.msk [tilespmem:v5+s20+$0x0], $0xffff;
	v44 =	vsel vm11, $0x1, v2;
	v3 =	vadd.s32 v4, v3  }
0x15e: {  	v4 =	vor.u32 v1, v45;
	v3 =	vadd.s32 v44, v3  }
0x15f: {  	v3 =	vshll.u32 v3, $0x2  }
0x160: {  	v3 =	vor.u32 v1, v3  }
0x161: {  	[tilespmem:s0+$0xFFFFFFF0] =	vst v3  }
0x162: {  	[tilespmem:s29+$0xFFFFFFF0] =	vst v5  }
0x163: {  	v3 =	vld.idx.msk [tilespmem:v4+s3+$0x0], $0xffff;
	_ =	sdelay $0x4  }
0x164: {  	v46 =	vcvt.s32.f32 v3;
	_ =	sdelay $0x1  }
0x165: {  	v5 =	vmul.f32 $1.041666700e-02, v46;
	_ =	sdelay $0x1  }
0x166: {  	v5 =	vtrunc.f32 v5  }
0x167: {  	v5 =	vcvt.f32.s32 v5;
	_ =	sdelay $0x1  }
0x168: {  	v47 =	vmul.u32 $0xFFFFFFA0, v5  }
0x169: {  	s30 =	sadd.s32 $0xFFFFFFF8, s31  }
0x16a: {  	v48 =	vmov s30;
	v3 =	vadd.s32 v3, v47  }
0x16b: {  	v6 =	vshll.u32 v48, $0x3;
	vm12 =	vgt.s32 v3, $0x5F;
	v3 =	vshra.s32 v3, $0x1F  }
0x16c: {  	v50 =	vor.u32 v0, v6;
	v4 =	vld.idx.msk [tilespmem:v4+s20+$0x0], $0xffff;
	v49 =	vsel vm12, $0x1, v2;
	v3 =	vadd.s32 v5, v3  }
0x16d: {  	v5 =	vor.u32 v1, v50;
	v3 =	vadd.s32 v49, v3  }
0x16e: {  	v3 =	vshll.u32 v3, $0x2  }
0x16f: {  	v3 =	vor.u32 v1, v3  }
0x170: {  	[tilespmem:s0+$0x0] =	vst v3  }
0x171: {  	[tilespmem:s29+$0x0] =	vst v4  }
0x172: {  	v3 =	vld.idx.msk [tilespmem:v5+s3+$0x0], $0xffff;
	_ =	sdelay $0x4  }
0x173: {  	v51 =	vcvt.s32.f32 v3;
	_ =	sdelay $0x1  }
0x174: {  	v4 =	vmul.f32 $1.041666700e-02, v51;
	_ =	sdelay $0x1  }
0x175: {  	v4 =	vtrunc.f32 v4  }
0x176: {  	v4 =	vcvt.f32.s32 v4;
	_ =	sdelay $0x1  }
0x177: {  	v52 =	vmul.u32 $0xFFFFFFA0, v4  }
0x178: {  	s30 =	sadd.s32 $0xFFFFFFFC, s31  }
0x179: {  	v53 =	vmov s30;
	v3 =	vadd.s32 v3, v52  }
0x17a: {  	v6 =	vshll.u32 v53, $0x3;
	vm13 =	vgt.s32 v3, $0x5F;
	v3 =	vshra.s32 v3, $0x1F  }
0x17b: {  	v55 =	vor.u32 v0, v6;
	v5 =	vld.idx.msk [tilespmem:v5+s20+$0x0], $0xffff;
	v54 =	vsel vm13, $0x1, v2;
	v3 =	vadd.s32 v4, v3  }
0x17c: {  	v4 =	vor.u32 v1, v55;
	v3 =	vadd.s32 v54, v3  }
0x17d: {  	v3 =	vshll.u32 v3, $0x2  }
0x17e: {  	v3 =	vor.u32 v1, v3  }
0x17f: {  	[tilespmem:s0+$0x10] =	vst v3  }
0x180: {  	[tilespmem:s29+$0x10] =	vst v5  }
0x181: {  	v3 =	vld.idx.msk [tilespmem:v4+s3+$0x0], $0xffff;
	_ =	sdelay $0x4  }
0x182: {  	v56 =	vcvt.s32.f32 v3;
	_ =	sdelay $0x1  }
0x183: {  	v5 =	vmul.f32 $1.041666700e-02, v56;
	_ =	sdelay $0x1  }
0x184: {  	v5 =	vtrunc.f32 v5  }
0x185: {  	v5 =	vcvt.f32.s32 v5;
	_ =	sdelay $0x1  }
0x186: {  	v57 =	vmul.u32 $0xFFFFFFA0, v5;
	_ =	sdelay $0x1  }
0x187: {  	v58 =	vmov s31;
	v3 =	vadd.s32 v3, v57  }
0x188: {  	v6 =	vshll.u32 v58, $0x3;
	vm14 =	vgt.s32 v3, $0x5F;
	v3 =	vshra.s32 v3, $0x1F  }
0x189: {  	v60 =	vor.u32 v0, v6;
	v4 =	vld.idx.msk [tilespmem:v4+s20+$0x0], $0xffff;
	v59 =	vsel vm14, $0x1, v2;
	v3 =	vadd.s32 v5, v3  }
0x18a: {  	v5 =	vor.u32 v1, v60;
	v3 =	vadd.s32 v59, v3  }
0x18b: {  	v3 =	vshll.u32 v3, $0x2  }
0x18c: {  	v3 =	vor.u32 v1, v3  }
0x18d: {  	[tilespmem:s0+$0x20] =	vst v3  }
0x18e: {  	[tilespmem:s29+$0x20] =	vst v4  }
0x18f: {  	v3 =	vld.idx.msk [tilespmem:v5+s3+$0x0], $0xffff;
	_ =	sdelay $0x4  }
0x190: {  	v61 =	vcvt.s32.f32 v3;
	_ =	sdelay $0x1  }
0x191: {  	v4 =	vmul.f32 $1.041666700e-02, v61;
	_ =	sdelay $0x1  }
0x192: {  	v4 =	vtrunc.f32 v4  }
0x193: {  	v4 =	vcvt.f32.s32 v4;
	_ =	sdelay $0x1  }
0x194: {  	v62 =	vmul.u32 $0xFFFFFFA0, v4;
	_ =	sdelay $0x1  }
0x195: {  	v3 =	vadd.s32 v3, v62  }
0x196: {  	vm15 =	vgt.s32 v3, $0x5F;
	v3 =	vshra.s32 v3, $0x1F  }
0x197: {  	v5 =	vld.idx.msk [tilespmem:v5+s20+$0x0], $0xffff;
	v63 =	vsel vm15, $0x1, v2;
	v3 =	vadd.s32 v4, v3  }
0x198: {  	v3 =	vadd.s32 v63, v3  }
0x199: {  	v3 =	vshll.u32 v3, $0x2  }
0x19a: {  	v3 =	vor.u32 v1, v3  }
0x19b: {  	[tilespmem:s0+$0x30] =	vst v3  }
0x19c: {  	[tilespmem:s29+$0x30] =	vst v5;
	s29 =	smul.u32 $0x18, s26  }
0x19d: {  	[spmem:s1] =	stream.indirect.scatter.add.f32 [tilespmem:s23], [sflag:$0x1], $0x1, s22, s21, $0xb8;
	[tilespmem:$0x18C00] =	vst v63  }
0x19e: {  	s0 =	sadd.s32 s29, s28  }
0x19f: {  	s0 =	smul.u32 $0x90000, s0  }
0x1a0: {  	_ =	swait.ge [sflag:s17], $0x2400  }
0x1a1: {  	s31 =	sshrl.u32 s10, $0x3;
	[sflag:s17] =	ssyncset.done $0x0;
	s0 =	sadd.s32 s6, s0  }
0x1a2: {  	s30 =	sshll.u32 s2, $0x6;
	[sflag:s17] =	ssyncadd.s32 $0xFFFFDC00;
	s0 =	sshrl.u32 s0, $0x3  }
0x1a3: {  	s8 =	sor.u32 $0x1C01, s30;
	[bflag:$0x0] =	sbarrier.arrive $0xFFFF;
	s0 =	sadd.s32 s9, s0  }
0x1a4: {  	[hbm:s0], [sflag:s8] =	dma.local [spmem:s31], $0x1200  }
0x1a5: {  	_ =	swait.ge [sflag:s17], $0x1200  }
0x1a6: {  	[sflag:s17] =	ssyncset.done $0x0  }
0x1a7: {  	[sflag:s17] =	ssyncadd.s32 $0xFFFFEE00  }
0x1a8: {  	[spmem:s10] =	stream.linear.scatter [tilespmem:s16], [sflag:$0x1], $0x2400, $0x38;
	[tilespmem:$0x18C00] =	vst v63  }
0x1a9: {  	_ =	swait.ge [sflag:s17], $0x2400  }
0x1aa: {  	[sflag:s17] =	ssyncset.done $0x0  }
0x1ab: {  	[sflag:s17] =	ssyncadd.s32 $0xFFFFDC00  }
0x1ac: {  	[spmem:s11] =	stream.linear.scatter [tilespmem:s16], [sflag:$0x1], $0x2400, $0x38;
	[tilespmem:$0x18C00] =	vst v63  }
0x1ad: {  	_ =	swait.ge [sflag:s17], $0x2400  }
0x1ae: {  	[sflag:s17] =	ssyncset.done $0x0  }
0x1af: {  	[sflag:s17] =	ssyncadd.s32 $0xFFFFDC00  }
0x1b0: {  	[spmem:s12] =	stream.linear.scatter [tilespmem:s16], [sflag:$0x1], $0x2400, $0x38;
	[tilespmem:$0x18C00] =	vst v63  }
0x1b1: {  	_ =	swait.ge [sflag:s17], $0x2400  }
0x1b2: {  	s25 =	sadd.s32 $0x1, s25;
	[sflag:s17] =	ssyncset.done $0x0  }
0x1b3: {  	p0 =	sne.s32 s25, $0x30;
	[sflag:s17] =	ssyncadd.s32 $0xFFFFDC00  }
0x1b4: {  	[spmem:s13] =	stream.linear.scatter [tilespmem:s16], [sflag:$0x1], $0x2400, $0x38;
	[tilespmem:$0x18C00] =	vst v63  }
.Ltmp1:
0x1b5: {  	_ =	swait.ge [sflag:s17], $0x2400;
	(pc) =	sbr.rel @p0 .LBB2_2-.Ltmp1, $3  }
0x1b6: {  	[sflag:s17] =	ssyncset.done $0x0  }
0x1b7: {  	[sflag:s17] =	ssyncadd.s32 $0xFFFFDC00  }
0x1b8: {  	[bflag:$0x0] =	sbarrier.arrive $0xFFFF;
	_ =	sdelay $0x1  }
0x1b9: {  	s24 =	sadd.s32 $0x1, s24  }
0x1ba: {  	p0 =	sne.s32 s24, s15  }
.Ltmp2:
0x1bb: {  	_ = 	snop;
	(pc) =	sbr.rel @p0 .LBB2_1-.Ltmp2, $1  }
0x1bc: {  	_ =	sdelay $0x3  }
0x1bd: {  	_ =	sfence.sel $0x180000  }
0x1be: {  	[bflag:$0x0] =	sbarrier.arrive $0xFFFF  }
0x1bf: {  	_ =	strace $0x90000047  }
0x1c0: {  	[bflag:$0x2] =	sbarrier.arrive $0xFFFF  }
0x1c1: {  	p0 =	sne.s32 s2, $0x0;
	s0 =	rddreg [dreg:$0x2]  }
0x1c2: {  	s0 =	sadd.s32 @!p0 $0x100000, s0  }
0x1c3: {  	[sflag:s0] =	ssyncadd.tile.s32 @!p0 $0x1;
	_ =	shalt  }
.Lfunc_end2:
_tile_overlayer_lowered:
.L_overlay_start_2:
0x1c4: {  	(tag) =	ssettag $0x2  }
0x1c5: {  	s0 =	rddreg [dreg:$0x0];
	s2 =	stileid.u32  }
0x1c6: {  	s1 =	rddreg [dreg:$0x1];
	p0 =	sne.s32 s2, $0x0  }
0x1c7: {  	s3 =	rddreg [dreg:$0x2];
	[bflag:$0x3] =	sbarrier.arrive $0xFFFF;
	s2 =	simm.s32 @!p0 $0x1C01  }
0x1c8: {  	[timem:s3], [sflag:s2] =	dma.local @!p0 [hbm:s0], s1  }
0x1c9: {  	s0 =	simm.s32 @!p0 $0x1  }
0x1ca: {  	_ =	swait.ge @!p0 [sflag:s0], s1  }
0x1cb: {  	s1 =	ssub.s32 @!p0 $0x0, s1;
	[sflag:s0] =	ssyncset.done @!p0 $0x0  }
0x1cc: {  	[sflag:s0] =	ssyncadd.s32 @!p0 s1  }
0x1cd: {  	[bflag:$0x3] =	sbarrier.arrive $0xFFFF  }
0x1ce: {  	_ =	shalt  }

// kernel: sparse-core-data-format-call.1.cloned.1.call-start
scs
called_computation.1_lowered:
.L_overlay_start_0:
0x0: {  	s2 =	sld [smem:$0x3FD9]  }
0x1: {  	s3 =	sld [smem:$0x3FFE];
	_ =	sdelay $0x1  }
0x2: {  	s1 =	srdreg.scid  }
0x3: {  	s0 =	sand.u32 $0x1, s1  }
0x4: {  	s18 =	sshll.u32 s0, $0xA;
	s2 =	sadd.s32 s3, s2  }
0x5: {  	s2 =	sadd.s32 s2, s18  }
0x6: {  	[smem:$0x3FC6] =	sst s2  }
0x7: {  	_ = 	snop  }
0x8: {  	s2 =	sld [smem:$0x3FD0];
	(tm) =	ssettm $0x1  }
0x9: {  	s19 =	sld [smem:$0x3FFB];
	_ =	sdelay $0x3  }
0xa: {  	_ =	strace s19  }
0xb: {  	s3 =	sld [smem:$0x3FFC];
	_ =	sdelay $0x3  }
0xc: {  	_ =	strace s3  }
0xd: {  	s3 =	sld [smem:$0x3FFD];
	_ =	sdelay $0x3  }
0xe: {  	_ =	strace s3  }
0xf: {  	_ =	strace $0x8FFFFFFF  }
0x10: {  	s20 =	sld [smem:$0x3FDB];
	_ =	sdelay $0x1  }
0x11: {  	s4 =	simm.s32 $_scs_section_size  }
0x12: {  	s5 =	simm.s32 $_size__tile_overlayer_lowered;
	s6 =	simm.s32 $_tile_overlayer_lowered  }
0x13: {  	s23 =	simm.s32 $0x1BFF;
	s22 =	sshll.u32 s6, $0x1;
	s3 =	sadd.s32 s4, s20  }
0x14: {  	s7 =	simm.s32 $0x0;
	s21 =	sshll.u32 s5, $0x1;
	s5 =	sadd.s32 s22, s3  }
0x15: {  	[timem:s7], [sflag:s23] =	dma.local [hbm:s5], s21  }
0x16: {  	_ =	swait.ge [sflag:s23], s21  }
0x17: {  	s4 =	ssub.s32 $0x0, s21;
	[sflag:s23] =	ssyncset.done $0x0  }
0x18: {  	[sflag:s23] =	ssyncadd.s32 s4;
	_ =	sdelay $0x1  }
0x19: {  	s24 =	simm.s32 $0x1B8B  }
0x1a: {  	_ =	swait.ge [sflag:s24], $0x1  }
0x1b: {  	[sflag:s24] =	ssyncset.done $0x0  }
0x1c: {  	s26 =	simm.s32 $0x1B8E;
	s25 =	sld [smem:$0x3FFE];
	[sflag:s24] =	ssyncadd.s32 $0xFFFFFFFF  }
0x1d: {  	s27 =	simm.s32 $execute0_lowered;
	[smem:$0x3FD2] =	sst s26  }
0x1e: {  	s5 =	sshll.u32 s27, $0x1;
	_ =	strace $0x80000049;
	[dreg:$0x1] =	wrdreg $0xFFFFFFFF  }
0x1f: {  	s28 =	simm.s32 $_size_execute0_lowered;
	s3 =	sadd.s32 s3, s5;
	[dreg:$0x0] =	wrdreg $0x0  }
0x20: {  	s5 =	sshll.u32 s28, $0x1;
	[dreg:$0x2] =	wrdreg s3  }
0x21: {  	[dreg:$0x3] =	wrdreg s5  }
0x22: {  	[dreg:$0x4] =	wrdreg $0xC0  }
0x23: {  	_ =	task [dreg:s7], $0x5FFFF  }
0x24: {  	[dreg:$0x1] =	wrdreg $0xFFFFFFFF  }
0x25: {  	[dreg:$0x0] =	wrdreg $0x60  }
0x26: {  	[dreg:$0x2] =	wrdreg s2  }
0x27: {  	[dreg:$0x3] =	wrdreg s25  }
0x28: {  	[dreg:$0x4] =	wrdreg $0x9  }
0x29: {  	_ =	task.clear_ibuf [dreg:s7], $0x5FFFF;
	_ =	strace $0x90000049  }
0x2a: {  	s29 =	simm.s32 $0x9;
	_ =	strace $0x8000004B  }
0x2b: {  	_ =	swait.ge [sflag:s29], $0x1  }
0x2c: {  	[sflag:s29] =	ssyncadd.s32 $0xFFFFFFFF  }
0x2d: {  	_ =	strace $0x9000004B  }
0x2e: {  	_ =	sfence  }
0x2f: {  	s30 =	sld [smem:$0x0];
	_ =	sdelay $0x2  }
0x30: {  	s31 =	sshll.u32 s1, $0xD;
	s1 =	sshrl.u32 s1, $0x2  }
0x31: {  	s3 =	sand.u32 $0x4000, s31;
	s1 =	sadd.s32 s1, s30  }
0x32: {  	s0 =	sor.u32 s3, s0;
	s1 =	sshll.u32 s1, $0x11  }
0x33: {  	s0 =	sor.u32 s1, s0  }
0x34: {  	s0 =	sadd.s32 $0x8F2B, s0  }
0x35: {  	[sflag:s0] =	ssyncadd.remote.s32 $0x1  }
0x36: {  	_ =	sfence.sel $0xFFFF  }
0x37: {  	[dreg:$0x0] =	wrdreg $0xFFFFFFFF;
	(pc) =	sbr.abs _section_cstart, $3  }
0x38: {  	[dreg:$0x1] =	wrdreg $0xFFFFFFFF  }
0x39: {  	_ =	task.clear_ibuf [dreg:s7], $0x2FFFF;
	_ =	strace $0x9FFFFFFF  }
0x3a: {  	(tm) =	ssettm $0x7FFFFFFF  }
0x3b: {  	_ =	shalt  }
tec
execute0_lowered:
.L_overlay_start_1:
0x0: {  	(tag) =	ssettag $0x1  }
0x1: {  	s0 =	srdreg.scid  }
0x2: {  	s2 =	rddreg [dreg:$0x0];
	s1 =	sshll.u32 s0, $0x4  }
0x3: {  	s5 =	rddreg [dreg:$0x1];
	s0 =	stileid.u32;
	s1 =	sand.u32 $0x10, s1  }
0x4: {  	s4 =	simm.s32 $0x1;
	s8 =	simm.s32 $0x2;
	s1 =	sor.u32 s0, s1  }
0x5: {  	s12 =	simm.s32 $0x0;
	s11 =	simm.s32 $0x0;
	s3 =	sshll.u32 s1, $0x7  }
0x6: {  	s9 =	simm.s32 $0x0;
	s10 =	simm.s32 $0x0;
	s6 =	ssub.s32 $0x90000, s3  }
.Ltmp0:
0x7: {  	s1 =	rddreg [dreg:$0x2];
	s7 =	sand.u32 $0xF80, s6;
	(pc) =	sbr.rel .LBB1_1-.Ltmp0, $4  }
0x8: {  	_ =	strace $0x8000004A;
	p0 =	sne.s32 s7, $0x0;
	s7 =	simm.s32 $0x1  }
0x9: {  	[sflag:s4] =	ssyncpa.u1 $0x0;
	s6 =	sshrl.u32 s6, $0xC;
	s7 =	simm.s32 @!p0 $0x0  }
0xa: {  	s5 =	sadd.s32 $0x4200, s5;
	[sflag:s8] =	ssyncpa.u1 $0x0;
	s6 =	sadd.s32 s7, s6  }
0xb: {  	s8 =	smov.u32 s3;
	p0 =	por $0x0, $0x0;
	s7 =	sadd.s32 $0x1, s6  }
.LBB1_4:
0xc: {  	s12 =	sshll.u32 s12, $0x7;
	s18 =	sshll.u32 s11, $0x3  }
0xd: {  	v5 =	vld [tilespmem:s16+$0xFFFFFFD0];
	[tilespmem:s15+$0x2040 ss:$0x81] =	vst.msk $0xffff, v4;
	s19 =	sand.u32 $0xFFFFFC00, s12;
	s18 =	sand.u32 $0xFFFFFC00, s18  }
0xe: {  	v58 =	vld [tilespmem:s16+$0xFFFFFFE0];
	[tilespmem:s15+$0x2850 ss:$0x81] =	vst.msk $0xffff, v3;
	s12 =	sand.u32 $0x380, s12;
	s18 =	sadd.s32 s18, s19  }
0xf: {  	s17 =	sshra.s32 s17, $0x2;
	v59 =	vld [tilespmem:s16+$0xFFFFFFF0];
	[tilespmem:s15+$0x3060 ss:$0x81] =	vst.msk $0xffff, v2;
	s12 =	sor.u32 s12, s18  }
0x10: {  	v60 =	vld [tilespmem:s16+$0x0];
	[tilespmem:s15+$0x0 ss:$0x81] =	vst.msk $0xffff, v0;
	s14 =	sadd.s32 s17, s14;
	s12 =	sshrl.u32 s12, $0x7  }
0x11: {  	v61 =	vld [tilespmem:s16+$0x10];
	[tilespmem:s14+$0x3870 ss:$0x81] =	vst.msk $0xffff, v1;
	s28 =	smulhi.u32 $0xE38E39, s12  }
0x12: {  	v62 =	vld [tilespmem:s16+$0x20];
	[tilespmem:s14+$0x810 ss:$0x81] =	vst.msk $0xffff, v5  }
0x13: {  	v63 =	vld [tilespmem:s16+$0xFFFFFFC0];
	[tilespmem:s14+$0x1020 ss:$0x81] =	vst.msk $0xffff, v58;
	s15 =	sshrl.u32 s28, $0xB  }
0x14: {  	[tilespmem:s14+$0x1830 ss:$0x81] =	vst.msk $0xffff, v59;
	s15 =	smul.u32 $0x90000, s15  }
0x15: {  	s29 =	sshrl.u32 s11, $0x3;
	[tilespmem:s14+$0x2040 ss:$0x81] =	vst.msk $0xffff, v60  }
0x16: {  	s30 =	sand.u32 $0xF, s29;
	[tilespmem:s14+$0x2850 ss:$0x81] =	vst.msk $0xffff, v61;
	s12 =	ssub.s32 s12, s15  }
0x17: {  	[tilespmem:s14+$0x3060 ss:$0x81] =	vst.msk $0xffff, v62;
	s15 =	sadd.s32 s5, s30;
	s12 =	sshll.u32 s12, $0x4  }
0x18: {  	s31 =	sand.u32 $0x7, s11;
	[tilespmem:s14+$0x0 ss:$0x81] =	vst.msk $0xffff, v63;
	s12 =	sadd.s32 s12, s15  }
0x19: {  	[hbm4b:s12+s31] =	stream.linear.scatter [tilespmem:s13], [sflag:$0x2], $0x4000, $0x20;
	[tilespmem:$0x10100] =	vst v63  }
.LBB1_5:
0x1a: {  	s13 =	sadd.s32 $0x1000, s8  }
0x1b: {  	s11 =	sadd.s32 $0x80, s9;
	s15 =	smov.u32 s9;
	p2 =	sgt.s32 s13, $0x8FFFF  }
0x1c: {  	s15 =	smov.u32 @p2 s11  }
0x1d: {  	s13 =	smov.u32 @p2 s3;
	p2 =	sgt.s32 s15, $0x5F  }
0x1e: {  	s15 =	simm.s32 @p2 $0x0;
	p2 =	sne.s32 s10, s7  }
.Ltmp1:
0x1f: {  	p1 =	slt.u32 s10, $0x2;
	(pc) =	sbr.rel @!p2 .LBB1_6-.Ltmp1, $4  }
0x20: {  	s14 =	simm.s32 @!p1 $0x2  }
0x21: {  	s12 =	smov.u32 s8;
	p0 =	por !p0, !p0;
	_ =	swait.ge @!p1 [sflag:s14], $0x4000  }
0x22: {  	s11 =	smov.u32 s9;
	[sflag:s14] =	ssyncset.done @!p1 $0x0;
	s8 =	smov.u32 s13  }
0x23: {  	s10 =	sadd.s32 $0x1, s10;
	[sflag:s14] =	ssyncadd.s32 @!p1 $0xFFFFC000;
	s9 =	smov.u32 s15  }
.LBB1_1:
0x24: {  	p1 =	sge.u32 s10, s6  }
0x25: {  	s13 =	sshrl.u32 @!p1 s9, $0x3  }
0x26: {  	s14 =	sshll.u32 @!p1 s8, $0x3;
	s13 =	smul.u32 @!p1 $0x480000, s13  }
0x27: {  	s14 =	sand.u32 @!p1 $0xFFFFFC00, s14  }
0x28: {  	s13 =	sadd.s32 @!p1 s13, s14  }
0x29: {  	s14 =	smulhi.u32 @!p1 $0x38E38E39, s13;
	_ =	sdelay $0x1  }
0x2a: {  	s18 =	smov.u32 s8;
	s14 =	sshrl.u32 @!p1 s14, $0x11  }
0x2b: {  	s31 =	sadd.s32 $0xFFFFFFFF, s10;
	s15 =	sshll.u32 @!p1 s9, $0x7;
	s16 =	smul.u32 @!p1 $0xAAB, s14  }
0x2c: {  	s17 =	sand.u32 @!p1 $0x7F, s8;
	p2 =	sgt.s32 @!p1 s9, $0xFFFFFFE0;
	s15 =	sand.u32 @!p1 $0x380, s15  }
0x2d: {  	p2 =	por !p2, p1;
	s15 =	sor.u32 @!p1 s17, s15;
	s16 =	sshrl.u32 @!p1 s16, $0x12  }
0x2e: {  	s13 =	sor.u32 @!p1 s13, s15;
	s15 =	smul.u32 @!p1 $0x60, s16;
	s16 =	smov.u32 s9  }
0x2f: {  	s17 =	sshra.s32 @!p1 s9, $0x1F;
	s16 =	simm.s32 @p2 $0xFFFFFFE0;
	p2 =	sgt.s32 @!p1 s8, $0x8FF80  }
0x30: {  	s19 =	sshra.s32 @!p1 s8, $0x1F;
	s17 =	sand.u32 @!p1 s17, s9;
	p2 =	por !p2, p1  }
0x31: {  	s16 =	ssub.s32 @!p1 s16, s17;
	s17 =	sand.u32 @!p1 s19, s8;
	s14 =	ssub.s32 @!p1 s14, s15  }
0x32: {  	s19 =	smulhi.u32 @!p1 $0x38E38E39, s13;
	s18 =	simm.s32 @p2 $0x8FF80;
	s14 =	sand.u32 @!p1 $0xFFFF, s14  }
0x33: {  	s17 =	ssub.s32 @!p1 s18, s17;
	s18 =	sadd.s32 @!p1 $0x20, s16;
	s16 =	ssub.s32 @!p1 $0x60, s16  }
0x34: {  	s14 =	smul.u32 @!p1 $0x12000, s14;
	p2 =	sgt.s32 @!p1 s18, $0x7F;
	s15 =	sadd.s32 @!p1 $0xFFF70080, s17  }
0x35: {  	s18 =	sshrl.u32 @!p1 s19, $0x11;
	s17 =	ssub.s32 @!p1 $0x90000, s17;
	p3 =	sgt.s32 @!p1 s15, $0x7F  }
0x36: {  	s18 =	smul.u32 @!p1 $0x90000, s18;
	p2 =	por !p2, p1;
	p3 =	por !p3, p1  }
0x37: {  	s15 =	sxor.u32 @!p1 $0xFFFFFFFF, s10;
	s16 =	simm.s32 @!p2 $0x0;
	s17 =	simm.s32 @!p3 $0x0  }
0x38: {  	s15 =	sshll.u32 @!p1 s15, $0xE;
	s13 =	ssub.s32 @!p1 s13, s18;
	s16 =	smul.u32 @!p1 s16, s17  }
0x39: {  	s15 =	sand.u32 @!p1 $0x4000, s15;
	s17 =	sshrl.u32 @!p1 s13, $0x3;
	s13 =	sand.u32 @!p1 $0x7, s13  }
0x3a: {  	s17 =	sadd.s32 @!p1 s2, s17;
	s13 =	sshll.u32 @!p1 s13, $0x12;
	s16 =	sand.u32 @!p1 $0x3FFFFFFF, s16  }
0x3b: {  	s14 =	sadd.s32 @!p1 s14, s17;
	s13 =	sor.u32 @!p1 $0x400, s13;
	s17 =	simm.s32 @!p1 $0x480000  }
0x3c: {  	[tilespmem:s15], [sflag:$0x1] =	stream.strided.gather @!p1 [hbm4b:s14+s13], s16, s17, s13, $0x38;
	[tilespmem:$0x10100] =	vst v63  }
0x3d: {  	p1 =	sge.u32 s31, s6  }
.Ltmp2:
0x3e: {  	_ = 	snop;
	(pc) =	sbr.rel @p1 .LBB1_5-.Ltmp2, $1  }
0x3f: {  	_ =	sdelay $0x3  }
0x40: {  	p1 =	sgt.s32 s11, $0xFFFFFFE0  }
0x41: {  	s13 =	smov.u32 s11;
	s14 =	sshra.s32 s11, $0x1F;
	s15 =	smov.u32 s12  }
0x42: {  	s16 =	sshra.s32 s12, $0x1F;
	s13 =	simm.s32 @!p1 $0xFFFFFFE0;
	p1 =	sgt.s32 s12, $0x8FF80  }
0x43: {  	s14 =	sand.u32 s14, s11;
	s26 =	sand.u32 s16, s12;
	s15 =	simm.s32 @!p1 $0x8FF80  }
0x44: {  	s13 =	ssub.s32 s13, s14;
	s14 =	ssub.s32 s15, s26  }
0x45: {  	s27 =	sadd.s32 $0x20, s13;
	s13 =	ssub.s32 $0x60, s13;
	s15 =	sadd.s32 $0xFFF70080, s14  }
0x46: {  	p1 =	sgt.s32 s27, $0x7F;
	s14 =	ssub.s32 $0x90000, s14;
	p2 =	sgt.s32 s15, $0x7F  }
0x47: {  	s13 =	simm.s32 @p1 $0x0;
	s14 =	simm.s32 @p2 $0x0  }
0x48: {  	s13 =	smul.u32 s13, s14;
	_ =	sdelay $0x1  }
0x49: {  	s14 =	simm.s32 $0x1;
	s13 =	sand.u32 $0x3FFFFFFF, s13  }
0x4a: {  	s14 =	simm.s32 @!p0 $0x0;
	_ =	swait.ge [sflag:s4], s13  }
0x4b: {  	s28 =	sshll.u32 s14, $0xE;
	s13 =	ssub.s32 $0x0, s13;
	[sflag:s4] =	ssyncset.done $0x0  }
0x4c: {  	s29 =	sor.u32 $0x40, s28;
	[sflag:s4] =	ssyncadd.s32 s13  }
0x4d: {  	s30 =	smul.u32 $0x10200, s14;
	v0 =	vld [tilespmem:s29+$0x30]  }
0x4e: {  	v1 =	vld [tilespmem:s29+$0xFFFFFFD0]  }
0x4f: {  	s13 =	sshrl.u32 s30, $0x2;
	v5 =	vld [tilespmem:s29+$0xFFFFFFE0]  }
0x50: {  	s14 =	sor.u32 $0x8000, s13;
	v6 =	vld [tilespmem:s29+$0xFFFFFFF0]  }
0x51: {  	s31 =	sand.u32 $0x1, s10;
	v4 =	vld [tilespmem:s29+$0x0];
	s15 =	sadd.s32 $0x0, s14  }
0x52: {  	s13 =	smul.u32 $0x10200, s31;
	v3 =	vld [tilespmem:s29+$0x10];
	[tilespmem:s15+$0x3870 ss:$0x81] =	vst.msk $0xffff, v0  }
0x53: {  	v2 =	vld [tilespmem:s29+$0x20];
	[tilespmem:s15+$0x810 ss:$0x81] =	vst.msk $0xffff, v1  }
0x54: {  	s16 =	sadd.s32 $0x80, s29;
	s13 =	sshrl.u32 s13, $0x2;
	v0 =	vld [tilespmem:s29+$0xFFFFFFC0];
	[tilespmem:s15+$0x1020 ss:$0x81] =	vst.msk $0xffff, v5  }
0x55: {  	s17 =	simm.s32 $0x4;
	s18 =	simm.s32 $0x8;
	s13 =	sor.u32 $0x8000, s13;
	v1 =	vld [tilespmem:s16+$0x30];
	[tilespmem:s15+$0x1830 ss:$0x81] =	vst.msk $0xffff, v6  }
.LBB1_3:
0x56: {  	p1 =	sne.s32 s18, $0x1FC;
	v5 =	vld [tilespmem:s16+$0xFFFFFFD0];
	[tilespmem:s15+$0x2040 ss:$0x81] =	vst.msk $0xffff, v4  }
0x57: {  	v6 =	vld [tilespmem:s16+$0xFFFFFFE0];
	[tilespmem:s15+$0x2850 ss:$0x81] =	vst.msk $0xffff, v3  }
0x58: {  	s19 =	sshra.s32 s17, $0x2;
	s17 =	smov.u32 s18;
	v7 =	vld [tilespmem:s16+$0xFFFFFFF0];
	[tilespmem:s15+$0x3060 ss:$0x81] =	vst.msk $0xffff, v2  }
.Ltmp3:
0x59: {  	v4 =	vld [tilespmem:s16+$0x0];
	[tilespmem:s15+$0x0 ss:$0x81] =	vst.msk $0xffff, v0;
	s15 =	sadd.s32 s19, s14;
	(pc) =	sbr.rel @p1 .LBB1_3-.Ltmp3, $4  }
0x5a: {  	v3 =	vld [tilespmem:s16+$0x10];
	[tilespmem:s15+$0x3870 ss:$0x81] =	vst.msk $0xffff, v1  }
0x5b: {  	[tilespmem:s15+$0x810 ss:$0x81] =	vst.msk $0xffff, v5;
	v2 =	vld [tilespmem:s16+$0x20]  }
0x5c: {  	v0 =	vld [tilespmem:s16+$0xFFFFFFC0];
	[tilespmem:s15+$0x1020 ss:$0x81] =	vst.msk $0xffff, v6;
	s16 =	sadd.s32 $0x80, s16  }
0x5d: {  	s18 =	sadd.s32 $0x4, s18;
	v1 =	vld [tilespmem:s16+$0x30];
	[tilespmem:s15+$0x1830 ss:$0x81] =	vst.msk $0xffff, v7  }
.Ltmp4:
0x5e: {  	_ = 	snop;
	(pc) =	sbr.rel .LBB1_4-.Ltmp4, $1  }
0x5f: {  	_ =	sdelay $0x3  }
.LBB1_6:
0x60: {  	_ =	sfence.sel $0x180000  }
0x61: {  	s2 =	simm.s32 $0x1;
	[bflag:$0x0] =	sbarrier.arrive $0xFFFF  }
0x62: {  	s31 =	simm.s32 $0x2;
	[sflag:s2] =	ssyncpa.u1 $0x1  }
0x63: {  	[sflag:s31] =	ssyncpa.u1 $0x1  }
0x64: {  	p0 =	sne.s32 s0, $0x0;
	_ =	strace $0x9000004A  }
0x65: {  	s0 =	sadd.s32 @!p0 $0x100000, s1;
	[bflag:$0x2] =	sbarrier.arrive $0xFFFF  }
0x66: {  	[sflag:s0] =	ssyncadd.tile.s32 @!p0 $0x1;
	_ =	shalt  }
.Lfunc_end1:
_tile_overlayer_lowered:
.L_overlay_start_2:
0x67: {  	(tag) =	ssettag $0x2  }
0x68: {  	s0 =	rddreg [dreg:$0x0];
	s2 =	stileid.u32  }
0x69: {  	s1 =	rddreg [dreg:$0x1];
	p0 =	sne.s32 s2, $0x0  }
0x6a: {  	s3 =	rddreg [dreg:$0x2];
	[bflag:$0x3] =	sbarrier.arrive $0xFFFF;
	s2 =	simm.s32 @!p0 $0x1C01  }
0x6b: {  	[timem:s3], [sflag:s2] =	dma.local @!p0 [hbm:s0], s1  }
0x6c: {  	s0 =	simm.s32 @!p0 $0x1  }
0x6d: {  	_ =	swait.ge @!p0 [sflag:s0], s1  }
0x6e: {  	s1 =	ssub.s32 @!p0 $0x0, s1;
	[sflag:s0] =	ssyncset.done @!p0 $0x0  }
0x6f: {  	[sflag:s0] =	ssyncadd.s32 @!p0 s1  }
0x70: {  	[bflag:$0x3] =	sbarrier.arrive $0xFFFF  }
0x71: {  	_ =	shalt  }

// kernel: sparse-core-data-format-call.cloned.1.call-start
scs
called_computation_lowered:
.L_overlay_start_0:
0x0: {  	s2 =	sld [smem:$0x3FD9]  }
0x1: {  	s3 =	sld [smem:$0x3FFE];
	_ =	sdelay $0x1  }
0x2: {  	s1 =	srdreg.scid  }
0x3: {  	s0 =	sand.u32 $0x1, s1  }
0x4: {  	s18 =	sshll.u32 s0, $0xA;
	s2 =	sadd.s32 s3, s2  }
0x5: {  	s2 =	sadd.s32 s2, s18  }
0x6: {  	[smem:$0x3FC6] =	sst s2  }
0x7: {  	_ = 	snop  }
0x8: {  	s2 =	sld [smem:$0x3FD0];
	(tm) =	ssettm $0x1  }
0x9: {  	s19 =	sld [smem:$0x3FFB];
	_ =	sdelay $0x3  }
0xa: {  	_ =	strace s19  }
0xb: {  	s3 =	sld [smem:$0x3FFC];
	_ =	sdelay $0x3  }
0xc: {  	_ =	strace s3  }
0xd: {  	s3 =	sld [smem:$0x3FFD];
	_ =	sdelay $0x3  }
0xe: {  	_ =	strace s3  }
0xf: {  	_ =	strace $0x8FFFFFFF  }
0x10: {  	s20 =	sld [smem:$0x3FDB];
	_ =	sdelay $0x1  }
0x11: {  	s4 =	simm.s32 $_scs_section_size  }
0x12: {  	s5 =	simm.s32 $_size__tile_overlayer_lowered;
	s6 =	simm.s32 $_tile_overlayer_lowered  }
0x13: {  	s23 =	simm.s32 $0x1BFF;
	s22 =	sshll.u32 s6, $0x1;
	s3 =	sadd.s32 s4, s20  }
0x14: {  	s7 =	simm.s32 $0x0;
	s21 =	sshll.u32 s5, $0x1;
	s5 =	sadd.s32 s22, s3  }
0x15: {  	[timem:s7], [sflag:s23] =	dma.local [hbm:s5], s21  }
0x16: {  	_ =	swait.ge [sflag:s23], s21  }
0x17: {  	s4 =	ssub.s32 $0x0, s21;
	[sflag:s23] =	ssyncset.done $0x0  }
0x18: {  	[sflag:s23] =	ssyncadd.s32 s4;
	_ =	sdelay $0x1  }
0x19: {  	s24 =	simm.s32 $0x1B8B  }
0x1a: {  	_ =	swait.ge [sflag:s24], $0x1  }
0x1b: {  	[sflag:s24] =	ssyncset.done $0x0  }
0x1c: {  	s26 =	simm.s32 $0x1B8E;
	s25 =	sld [smem:$0x3FFE];
	[sflag:s24] =	ssyncadd.s32 $0xFFFFFFFF  }
0x1d: {  	s27 =	simm.s32 $execute0_lowered;
	[smem:$0x3FD2] =	sst s26  }
0x1e: {  	s5 =	sshll.u32 s27, $0x1;
	_ =	strace $0x8000004C;
	[dreg:$0x1] =	wrdreg $0xFFFFFFFF  }
0x1f: {  	s28 =	simm.s32 $_size_execute0_lowered;
	s3 =	sadd.s32 s3, s5;
	[dreg:$0x0] =	wrdreg $0x0  }
0x20: {  	s5 =	sshll.u32 s28, $0x1;
	[dreg:$0x2] =	wrdreg s3  }
0x21: {  	[dreg:$0x3] =	wrdreg s5  }
0x22: {  	[dreg:$0x4] =	wrdreg $0xC0  }
0x23: {  	_ =	task [dreg:s7], $0x5FFFF  }
0x24: {  	[dreg:$0x1] =	wrdreg $0xFFFFFFFF  }
0x25: {  	[dreg:$0x0] =	wrdreg $0x60  }
0x26: {  	[dreg:$0x2] =	wrdreg s25  }
0x27: {  	[dreg:$0x3] =	wrdreg s2  }
0x28: {  	[dreg:$0x4] =	wrdreg $0x9  }
0x29: {  	_ =	task.clear_ibuf [dreg:s7], $0x5FFFF;
	_ =	strace $0x9000004C  }
0x2a: {  	s29 =	simm.s32 $0x9;
	_ =	strace $0x8000004E  }
0x2b: {  	_ =	swait.ge [sflag:s29], $0x1  }
0x2c: {  	[sflag:s29] =	ssyncadd.s32 $0xFFFFFFFF  }
0x2d: {  	_ =	strace $0x9000004E  }
0x2e: {  	_ =	sfence  }
0x2f: {  	s30 =	sld [smem:$0x0];
	_ =	sdelay $0x2  }
0x30: {  	s31 =	sshll.u32 s1, $0xD;
	s1 =	sshrl.u32 s1, $0x2  }
0x31: {  	s3 =	sand.u32 $0x4000, s31;
	s1 =	sadd.s32 s1, s30  }
0x32: {  	s0 =	sor.u32 s3, s0;
	s1 =	sshll.u32 s1, $0x11  }
0x33: {  	s0 =	sor.u32 s1, s0  }
0x34: {  	s0 =	sadd.s32 $0x8F2B, s0  }
0x35: {  	[sflag:s0] =	ssyncadd.remote.s32 $0x1  }
0x36: {  	_ =	sfence.sel $0xFFFF  }
0x37: {  	[dreg:$0x0] =	wrdreg $0xFFFFFFFF;
	(pc) =	sbr.abs _section_cstart, $3  }
0x38: {  	[dreg:$0x1] =	wrdreg $0xFFFFFFFF  }
0x39: {  	_ =	task.clear_ibuf [dreg:s7], $0x2FFFF;
	_ =	strace $0x9FFFFFFF  }
0x3a: {  	(tm) =	ssettm $0x7FFFFFFF  }
0x3b: {  	_ =	shalt  }
tec
execute0_lowered:
.L_overlay_start_1:
0x0: {  	(tag) =	ssettag $0x1  }
0x1: {  	s1 =	rddreg [dreg:$0x0]  }
0x2: {  	s2 =	rddreg [dreg:$0x1]  }
0x3: {  	s0 =	rddreg [dreg:$0x2];
	s4 =	srdreg.scid  }
0x4: {  	_ =	strace $0x8000004D;
	s7 =	simm.s32 $0x2;
	s15 =	simm.s32 $0x0  }
0x5: {  	p0 =	por $0x0, $0x0;
	s13 =	simm.s32 $0x0;
	s16 =	simm.s32 $0x0  }
0x6: {  	s14 =	simm.s32 $0x0;
	s9 =	simm.s32 $0x0;
	s10 =	simm.s32 $0x0  }
.Ltmp0:
0x7: {  	s3 =	sadd.s32 $0xDC200, s1;
	s4 =	sshll.u32 s4, $0x4;
	(pc) =	sbr.rel .LBB1_1-.Ltmp0, $4  }
0x8: {  	s1 =	stileid.u32;
	s5 =	sand.u32 $0x10, s4;
	s4 =	simm.s32 $0x1  }
0x9: {  	s8 =	simm.s32 $0x0;
	s6 =	sor.u32 s1, s5;
	[sflag:s4] =	ssyncpa.u1 $0x0  }
0xa: {  	s5 =	sand.u32 $0x3, s1;
	s6 =	sshrl.u32 s6, $0x2;
	[sflag:s7] =	ssyncpa.u1 $0x0  }
0xb: {  	s7 =	simm.s32 $0x9000;
	s12 =	smov.u32 s5;
	s11 =	smov.u32 s6  }
.LBB1_5:
0xc: {  	s17 =	sadd.s32 $0x80, s9  }
0xd: {  	s13 =	sadd.s32 $0x80, s10;
	s18 =	smov.u32 s10;
	p2 =	sgt.s32 s17, $0x17F  }
0xe: {  	s18 =	smov.u32 @p2 s13  }
0xf: {  	s19 =	smov.u32 s11;
	s13 =	sadd.s32 $0x8, s11;
	p3 =	sgt.s32 s18, $0x17F  }
0x10: {  	s19 =	smov.u32 @p3 s13  }
0x11: {  	s20 =	smov.u32 s12;
	s13 =	sadd.s32 $0x4, s12;
	p4 =	sgt.s32 s19, $0x5F  }
0x12: {  	p1 =	slt.u32 s8, $0x2;
	s20 =	smov.u32 @p4 s13  }
0x13: {  	s8 =	sadd.s32 $0x1, s8;
	s17 =	simm.s32 @p2 $0x0;
	p2 =	sgt.s32 s20, $0x3  }
0x14: {  	s15 =	smov.u32 s9;
	s20 =	smov.u32 @p2 s5;
	p2 =	sne.s32 s8, $0x6E  }
.Ltmp1:
0x15: {  	s16 =	smov.u32 s11;
	s21 =	simm.s32 @!p1 $0x2;
	(pc) =	sbr.rel @!p2 .LBB1_6-.Ltmp1, $4  }
0x16: {  	s14 =	smov.u32 s12;
	p0 =	por !p0, !p0;
	_ =	swait.ge @!p1 [sflag:s21], $0x4000  }
0x17: {  	[sflag:s21] =	ssyncset.done @!p1 $0x0;
	s9 =	smov.u32 s17;
	s18 =	simm.s32 @p3 $0x0  }
0x18: {  	[sflag:s21] =	ssyncadd.s32 @!p1 $0xFFFFC000;
	s19 =	smov.u32 @p4 s6;
	s13 =	smov.u32 s10  }
0x19: {  	s10 =	smov.u32 s18;
	s11 =	smov.u32 s19;
	s12 =	smov.u32 s20  }
.LBB1_1:
0x1a: {  	p1 =	sgt.u32 s8, $0x6B  }
0x1b: {  	s17 =	sshrl.u32 @!p1 s10, $0x3  }
0x1c: {  	s18 =	sshll.u32 @!p1 s9, $0x3;
	s17 =	smul.u32 @!p1 $0xC00, s17  }
0x1d: {  	s19 =	sshll.u32 @!p1 s10, $0x7;
	s18 =	sand.u32 @!p1 $0xFFFFFC00, s18  }
0x1e: {  	s17 =	sadd.s32 @!p1 s17, s18;
	s18 =	sand.u32 @!p1 $0x380, s19  }
0x1f: {  	s19 =	sand.u32 @!p1 $0x7F, s9;
	s17 =	sor.u32 @!p1 s18, s17  }
0x20: {  	s18 =	sor.u32 @!p1 s19, s17;
	s17 =	smulhi.u32 @!p1 $0xAAAAAAAB, s17;
	_ =	sdelay $0x1  }
0x21: {  	s19 =	smulhi.u32 @!p1 $0xAAAAAAAB, s18;
	s17 =	sshrl.u32 @!p1 s17, $0x8  }
0x22: {  	s20 =	smulhi.u32 @!p1 $0xAAAAAB, s17  }
0x23: {  	s22 =	smul.u32 @!p1 $0x1B0000, s12  }
0x24: {  	s19 =	sshrl.u32 @!p1 s19, $0x8;
	s20 =	smul.u32 @!p1 $0x180, s20  }
0x25: {  	s21 =	sxor.u32 @!p1 $0xFFFFFFFF, s8;
	s19 =	smul.u32 @!p1 $0x180, s19  }
0x26: {  	s21 =	sshll.u32 @!p1 s21, $0xE;
	s17 =	ssub.s32 @!p1 s17, s20;
	s20 =	smul.u32 @!p1 $0x4800, s11  }
0x27: {  	s18 =	ssub.s32 @!p1 s18, s19;
	s19 =	sadd.s32 @!p1 s3, s22;
	s17 =	smul.u32 @!p1 $0x30, s17  }
0x28: {  	s21 =	sand.u32 @!p1 $0x4000, s21;
	s19 =	sadd.s32 @!p1 s20, s19;
	s20 =	sand.u32 @!p1 $0x7, s18  }
0x29: {  	s18 =	sshrl.u32 @!p1 s18, $0x3;
	s17 =	sadd.s32 @!p1 s17, s19;
	s19 =	sshll.u32 @!p1 s20, $0x12  }
0x2a: {  	s17 =	sadd.s32 @!p1 s18, s17;
	s18 =	sor.u32 @!p1 $0x400, s19;
	s19 =	simm.s32 @!p1 $0xC00  }
0x2b: {  	[tilespmem:s21], [sflag:$0x1] =	stream.strided.gather @!p1 [hbm4b:s17+s18], $0x4000, s19, s18, $0x38;
	[tilespmem:$0x10000] =	vst v63  }
0x2c: {  	p1 =	seq.s32 s8, $0x0  }
0x2d: {  	p2 =	seq.s32 @!p1 s8, $0x6D  }
0x2e: {  	p1 =	por p1, p2  }
.Ltmp2:
0x2f: {  	_ = 	snop;
	(pc) =	sbr.rel @p1 .LBB1_5-.Ltmp2, $1  }
0x30: {  	_ =	sdelay $0x3  }
0x31: {  	s17 =	simm.s32 $0x1  }
0x32: {  	s17 =	simm.s32 @!p0 $0x0  }
0x33: {  	s17 =	sshll.u32 s17, $0xE  }
0x34: {  	s18 =	sor.u32 $0x40, s17  }
0x35: {  	v1 =	vmov s18;
	_ =	sdelay $0x1  }
0x36: {  	_ =	swait.ge [sflag:s4], $0x4000  }
0x37: {  	[sflag:s4] =	ssyncset.done $0x0  }
0x38: {  	s19 =	simm.s32 $0x0;
	[sflag:s4] =	ssyncadd.s32 $0xFFFFC000  }
0x39: {  	s17 =	sor.u32 $0x8070, s17;
	v6 =	vld.idx.msk [tilespmem:v1+s19+$0x30 ss:$0x1], $0xffff  }
0x3a: {  	v0 =	vmov s17;
	v8 =	vld.idx.msk [tilespmem:v1+s19+$0xFFFFFFC0 ss:$0x1], $0xffff  }
0x3b: {  	v7 =	vld.idx.msk [tilespmem:v1+s19+$0xFFFFFFD0 ss:$0x1], $0xffff  }
0x3c: {  	v5 =	vld.idx.msk [tilespmem:v1+s19+$0xFFFFFFE0 ss:$0x1], $0xffff  }
0x3d: {  	v4 =	vld.idx.msk [tilespmem:v1+s19+$0xFFFFFFF0 ss:$0x1], $0xffff  }
0x3e: {  	s31 =	sshll.u32 s8, $0xE;
	v2 =	vld.idx.msk [tilespmem:v1+s19+$0x0 ss:$0x1], $0xffff  }
0x3f: {  	s17 =	sand.u32 $0x4000, s31;
	v3 =	vld.idx.msk [tilespmem:v1+s19+$0x10 ss:$0x1], $0xffff;
	[tilespmem:v0+s19+$0x0 ss:$0x1] =	vst.idx.msk $0xffff, v6  }
0x40: {  	s20 =	simm.s32 $0x400;
	s18 =	simm.s32 $0x80;
	s17 =	sor.u32 $0x8000, s17;
	[tilespmem:v0+s19+$0xFFFFFF90 ss:$0x1] =	vst.idx.msk $0xffff, v8;
	v6 =	vld.idx.msk [tilespmem:v1+s19+$0x20 ss:$0x1], $0xffff  }
.LBB1_3:
0x41: {  	p1 =	sne.s32 s20, $0xFE00;
	v8 =	vld.idx.msk [tilespmem:v1+s18+$0x30 ss:$0x1], $0xffff;
	[tilespmem:v0+s19+$0xFFFFFFA0 ss:$0x1] =	vst.idx.msk $0xffff, v7  }
0x42: {  	v9 =	vld.idx.msk [tilespmem:v1+s18+$0xFFFFFFC0 ss:$0x1], $0xffff;
	[tilespmem:v0+s19+$0xFFFFFFB0 ss:$0x1] =	vst.idx.msk $0xffff, v5  }
0x43: {  	v7 =	vld.idx.msk [tilespmem:v1+s18+$0xFFFFFFD0 ss:$0x1], $0xffff;
	[tilespmem:v0+s19+$0xFFFFFFC0 ss:$0x1] =	vst.idx.msk $0xffff, v4  }
.Ltmp3:
0x44: {  	v5 =	vld.idx.msk [tilespmem:v1+s18+$0xFFFFFFE0 ss:$0x1], $0xffff;
	[tilespmem:v0+s19+$0xFFFFFFD0 ss:$0x1] =	vst.idx.msk $0xffff, v2;
	(pc) =	sbr.rel @p1 .LBB1_3-.Ltmp3, $4  }
0x45: {  	v4 =	vld.idx.msk [tilespmem:v1+s18+$0xFFFFFFF0 ss:$0x1], $0xffff;
	[tilespmem:v0+s19+$0xFFFFFFE0 ss:$0x1] =	vst.idx.msk $0xffff, v3  }
0x46: {  	v2 =	vld.idx.msk [tilespmem:v1+s18+$0x0 ss:$0x1], $0xffff;
	[tilespmem:v0+s19+$0xFFFFFFF0 ss:$0x1] =	vst.idx.msk $0xffff, v6;
	s19 =	smov.u32 s18  }
0x47: {  	v3 =	vld.idx.msk [tilespmem:v1+s19+$0x10 ss:$0x1], $0xffff;
	[tilespmem:v0+s19+$0x0 ss:$0x1] =	vst.idx.msk $0xffff, v8  }
0x48: {  	s18 =	sshra.s32 s20, $0x2;
	s20 =	sadd.s32 $0x200, s20;
	[tilespmem:v0+s19+$0xFFFFFF90 ss:$0x1] =	vst.idx.msk $0xffff, v9;
	v6 =	vld.idx.msk [tilespmem:v1+s19+$0x20 ss:$0x1], $0xffff  }
0x49: {  	s20 =	sshrl.u32 s16, $0x3  }
0x4a: {  	s21 =	sshll.u32 s15, $0x3;
	s20 =	smul.u32 $0xC00, s20  }
0x4b: {  	s26 =	sshll.u32 s16, $0x7;
	s21 =	sand.u32 $0xFFFFFC00, s21  }
0x4c: {  	s16 =	sand.u32 $0x380, s26;
	s20 =	sadd.s32 s20, s21  }
0x4d: {  	[tilespmem:v0+s19+$0xFFFFFFA0 ss:$0x1] =	vst.idx.msk $0xffff, v7;
	s27 =	sand.u32 $0x7F, s15;
	s16 =	sor.u32 s16, s20  }
0x4e: {  	v56 =	vld.idx.msk [tilespmem:v1+s18+$0x30 ss:$0x1], $0xffff;
	[tilespmem:v0+s19+$0xFFFFFFB0 ss:$0x1] =	vst.idx.msk $0xffff, v5;
	s15 =	sor.u32 s27, s16;
	s16 =	smulhi.u32 $0xAAAAAAAB, s16  }
0x4f: {  	v57 =	vld.idx.msk [tilespmem:v1+s18+$0xFFFFFFC0 ss:$0x1], $0xffff;
	[tilespmem:v0+s19+$0xFFFFFFC0 ss:$0x1] =	vst.idx.msk $0xffff, v4  }
0x50: {  	v58 =	vld.idx.msk [tilespmem:v1+s18+$0xFFFFFFD0 ss:$0x1], $0xffff;
	s14 =	smul.u32 $0x1B0000, s14;
	[tilespmem:v0+s19+$0xFFFFFFD0 ss:$0x1] =	vst.idx.msk $0xffff, v2;
	s16 =	sshrl.u32 s16, $0x8  }
0x51: {  	v59 =	vld.idx.msk [tilespmem:v1+s18+$0xFFFFFFE0 ss:$0x1], $0xffff;
	[tilespmem:v0+s19+$0xFFFFFFE0 ss:$0x1] =	vst.idx.msk $0xffff, v3;
	s30 =	smulhi.u32 $0x2AAAAAB, s16  }
0x52: {  	v60 =	vld.idx.msk [tilespmem:v1+s18+$0xFFFFFFF0 ss:$0x1], $0xffff;
	[tilespmem:v0+s19+$0xFFFFFFF0 ss:$0x1] =	vst.idx.msk $0xffff, v6;
	s28 =	smulhi.u32 $0xAAAAAAAB, s15  }
0x53: {  	v61 =	vld.idx.msk [tilespmem:v1+s18+$0x0 ss:$0x1], $0xffff;
	[tilespmem:v0+s18+$0x0 ss:$0x1] =	vst.idx.msk $0xffff, v56;
	s20 =	smul.u32 $0x60, s30  }
0x54: {  	v62 =	vld.idx.msk [tilespmem:v1+s18+$0x10 ss:$0x1], $0xffff;
	s13 =	smul.u32 $0x1200, s13;
	[tilespmem:v0+s18+$0xFFFFFF90 ss:$0x1] =	vst.idx.msk $0xffff, v57;
	s29 =	sshrl.u32 s28, $0x8  }
0x55: {  	v63 =	vld.idx.msk [tilespmem:v1+s18+$0x20 ss:$0x1], $0xffff;
	[tilespmem:v0+s18+$0xFFFFFFA0 ss:$0x1] =	vst.idx.msk $0xffff, v58;
	s19 =	smul.u32 $0x180, s29;
	s16 =	ssub.s32 s16, s20  }
0x56: {  	[tilespmem:v0+s18+$0xFFFFFFB0 ss:$0x1] =	vst.idx.msk $0xffff, v59;
	s16 =	smul.u32 $0x30, s16  }
.Ltmp4:
0x57: {  	s14 =	sadd.s32 s2, s14;
	[tilespmem:v0+s18+$0xFFFFFFC0 ss:$0x1] =	vst.idx.msk $0xffff, v60;
	s15 =	ssub.s32 s15, s19;
	(pc) =	sbr.rel .LBB1_5-.Ltmp4, $4  }
0x58: {  	s13 =	sadd.s32 s13, s14;
	[tilespmem:v0+s18+$0xFFFFFFD0 ss:$0x1] =	vst.idx.msk $0xffff, v61;
	s31 =	sand.u32 $0x7, s15  }
0x59: {  	[tilespmem:v0+s18+$0xFFFFFFE0 ss:$0x1] =	vst.idx.msk $0xffff, v62;
	s15 =	sshrl.u32 s15, $0x3;
	s14 =	sshll.u32 s31, $0x12;
	s13 =	sadd.s32 s16, s13  }
0x5a: {  	[tilespmem:v0+s18+$0xFFFFFFF0 ss:$0x1] =	vst.idx.msk $0xffff, v63;
	s14 =	sor.u32 $0x80, s14;
	s13 =	sadd.s32 s15, s13  }
0x5b: {  	[hbm4b:s13+s14] =	stream.strided.scatter [tilespmem:s17], [sflag:$0x2], $0x4000, s7, s14, $0x38;
	[tilespmem:$0x10000] =	vst v63  }
.LBB1_6:
0x5c: {  	_ =	sfence.sel $0x180000  }
0x5d: {  	s2 =	simm.s32 $0x1;
	[bflag:$0x0] =	sbarrier.arrive $0xFFFF  }
0x5e: {  	s31 =	simm.s32 $0x2;
	[sflag:s2] =	ssyncpa.u1 $0x1  }
0x5f: {  	[sflag:s31] =	ssyncpa.u1 $0x1  }
0x60: {  	p0 =	sne.s32 s1, $0x0;
	_ =	strace $0x9000004D  }
0x61: {  	s0 =	sadd.s32 @!p0 $0x100000, s0;
	[bflag:$0x2] =	sbarrier.arrive $0xFFFF  }
0x62: {  	[sflag:s0] =	ssyncadd.tile.s32 @!p0 $0x1;
	_ =	shalt  }
.Lfunc_end1:
_tile_overlayer_lowered:
.L_overlay_start_2:
0x63: {  	(tag) =	ssettag $0x2  }
0x64: {  	s0 =	rddreg [dreg:$0x0];
	s2 =	stileid.u32  }
0x65: {  	s1 =	rddreg [dreg:$0x1];
	p0 =	sne.s32 s2, $0x0  }
0x66: {  	s3 =	rddreg [dreg:$0x2];
	[bflag:$0x3] =	sbarrier.arrive $0xFFFF;
	s2 =	simm.s32 @!p0 $0x1C01  }
0x67: {  	[timem:s3], [sflag:s2] =	dma.local @!p0 [hbm:s0], s1  }
0x68: {  	s0 =	simm.s32 @!p0 $0x1  }
0x69: {  	_ =	swait.ge @!p0 [sflag:s0], s1  }
0x6a: {  	s1 =	ssub.s32 @!p0 $0x0, s1;
	[sflag:s0] =	ssyncset.done @!p0 $0x0  }
0x6b: {  	[sflag:s0] =	ssyncadd.s32 @!p0 s1  }
0x6c: {  	[bflag:$0x3] =	sbarrier.arrive $0xFFFF  }
0x6d: {  	_ =	shalt  }

</sc_bundles>
